<compile_context>
chip_gen: v7x
topology: tpu7x:2x2x1
jax: 0.10.2.dev20260603
libtpu: 0.0.44.dev20260713+nightly
codegen_flags: <defaults>
</compile_context>

<pallas_src>
import functools

import jax
import jax.numpy as jnp
from jax import lax
from jax.experimental import pallas as pl
from jax.experimental.pallas import tpu as pltpu
from jax.experimental.pallas import tpu_sc as plsc

_N1 = 85
_N1P = 96
_E1 = 2720
_E1P = 2816
_N2 = 5625
_N2P = 5632
_E2 = 180000
_E2P = 180224
_EPT = _E2P // 16
_NVE = _EPT // 16
_SLC = _N2P // 16
_NVS = _SLC // 16
_NVN = _N2P // 16



def _tc_dense(ei_ref, eit_ref, x1_ref, w1_ref, b1_ref, x2_ref, w2_ref,
              h1_ref, h2_ref):
    src_row = ei_ref[pl.ds(0, 1), :]
    dst_row = ei_ref[pl.ds(1, 1), :]
    src_col = eit_ref[:, pl.ds(0, 1)]
    node_r = lax.broadcasted_iota(jnp.int32, (_N1P, _E1P), 0)
    node_c = lax.broadcasted_iota(jnp.int32, (_E1P, _N1P), 1)
    od_t = jnp.where(node_r == dst_row, 1.0, 0.0)
    os_ = jnp.where(node_c == src_col, 1.0, 0.0)
    acore = jnp.dot(od_t, os_, preferred_element_type=jnp.float32)
    deg = jnp.sum(od_t, axis=1, keepdims=True)
    dinv = lax.rsqrt(deg + 1.0)
    r0 = lax.broadcasted_iota(jnp.int32, (_N1P, _N1P), 0)
    r1 = lax.broadcasted_iota(jnp.int32, (_N1P, _N1P), 1)
    eye = jnp.where((r0 == r1) & (r0 < _N1), 1.0, 0.0)
    c = jnp.dot(x1_ref[...], w1_ref[...], preferred_element_type=jnp.float32)
    m = jnp.dot(acore + eye, dinv * c, preferred_element_type=jnp.float32)
    h1_ref[...] = dinv * m + b1_ref[...]
    h2_ref[...] = jnp.dot(x2_ref[...], w2_ref[...],
                          preferred_element_type=jnp.float32)
    _ = src_row


def _tc_final(xc_ref, wf_ref, bf_ref, o_ref):
    x = jnp.maximum(xc_ref[...], 0.0)
    o_ref[...] = (jnp.dot(x, wf_ref[...], preferred_element_type=jnp.float32)
                  + bf_ref[...])



def _rsqrt16(x):
    i = plsc.bitcast(x, jnp.int32)
    i = jnp.int32(0x5F3759DF) - lax.shift_right_logical(i, 1)
    y = plsc.bitcast(i, jnp.float32)
    for _ in range(3):
        y = y * (1.5 - 0.5 * x * y * y)
    return y


_RPT = _EPT // 128


_CHK = 4
_CSZ = _EPT // _CHK


_OFF_B2 = 2 * _N2P
_OFF_ONES = 2 * _N2P + 32
_OFF_WFB = 2 * _N2P + 32 + _EPT
_FIN = 5 * _SLC
_OPT = 2048 // 16


def _sc_agg_body(ei_hbm, fdata_hbm, out_hbm,
                 src_v, dst_v, g_v, red_v, dinv_v, tsl_v,
                 hsl_v, b2_v, out_v, wfb_v, zb_v, val_v, idx_v,
                 sem_a, sem_b,
                 s_deg, s_t, s_out):
    c = lax.axis_index("c")
    s = lax.axis_index("s")
    nbase = s * _SLC
    ebase = s * _EPT
    st0 = pltpu.async_copy(ei_hbm.at[pl.ds(_E2P + ebase, _EPT)], dst_v, sem_a)
    st1 = pltpu.async_copy(fdata_hbm.at[pl.ds(_OFF_ONES, _EPT)], g_v, sem_b)
    pltpu.sync_copy(fdata_hbm.at[pl.ds(_OFF_B2 + c * 16, 16)], b2_v)
    pltpu.sync_copy(fdata_hbm.at[pl.ds(_OFF_WFB, 360)], wfb_v)

    zero16 = jnp.zeros((16,), jnp.float32)

    def _zero_body(i, carry):
        out_v[pl.ds(i * 16, 16)] = zero16
        return carry

    def _zero_body2(i, carry):
        zb_v[pl.ds(i * 16, 16)] = zero16
        return carry

    lax.fori_loop(0, _NVS, _zero_body, 0)
    lax.fori_loop(0, _OPT // 16, _zero_body2, 0)
    pltpu.sync_copy(out_v, s_deg.at[pl.ds(nbase, _SLC)])
    pltpu.sync_copy(zb_v, s_out.at[pl.ds(s * _OPT, _OPT)])

    st0.wait()
    st1.wait()
    plsc.subcore_barrier()

    st1 = pltpu.async_copy(ei_hbm.at[pl.ds(ebase, _EPT)], src_v, sem_a)
    st2 = pltpu.async_copy(fdata_hbm.at[pl.ds(c * _N2P + nbase, _SLC)],
                           hsl_v, sem_b)
    pltpu.sync_copy(g_v, s_deg.at[dst_v], add=True)
    st1.wait()
    st2.wait()
    plsc.subcore_barrier()

    pltpu.sync_copy(s_deg.at[pl.ds(nbase, _SLC)], red_v)

    def _dinv_body(k, carry):
        sl = pl.ds(k * 16, 16)
        y = _rsqrt16(red_v[sl] + 1.0)
        dinv_v[sl] = y
        tsl_v[sl] = y * hsl_v[sl]
        return carry

    lax.fori_loop(0, _NVS, _dinv_body, 0)
    pltpu.sync_copy(tsl_v, s_t.at[pl.ds(nbase, _SLC)])
    plsc.subcore_barrier()

    pltpu.sync_copy(s_t.at[src_v], g_v)
    pltpu.sync_copy(g_v, s_deg.at[dst_v], add=True)
    plsc.subcore_barrier()

    pltpu.sync_copy(s_deg.at[pl.ds(nbase, _SLC)], hsl_v)
    b2c = b2_v[...]
    i16 = lax.broadcasted_iota(jnp.int32, (16,), 0)

    def _fin_body(k, carry):
        sl = pl.ds(k * 16, 16)
        y = dinv_v[sl]
        msg = hsl_v[sl] - red_v[sl]
        v = jnp.maximum(y * msg + y * tsl_v[sl] + b2c, 0.0)
        f = 2 * (i16 + (nbase + k * 16)) + c
        i_ = lax.shift_right_logical(f * 46604, 21)
        wbase = (f - 45 * i_) * 8
        pos = i_ * 8
        for j in range(5):
            vsl = pl.ds(j * _SLC + k * 16, 16)
            val_v[vsl] = v * plsc.load_gather(wfb_v, [wbase + j])
            idx_v[vsl] = pos + j
        return carry

    lax.fori_loop(0, _NVS, _fin_body, 0)
    pltpu.sync_copy(val_v, s_out.at[idx_v], add=True)
    plsc.subcore_barrier()
    pltpu.sync_copy(s_out.at[pl.ds(s * _OPT, _OPT)], zb_v)
    pltpu.sync_copy(zb_v, out_hbm.at[pl.ds(c * 2048 + s * _OPT, _OPT)])


_sc_agg = functools.partial(
    pl.kernel,
    mesh=plsc.VectorSubcoreMesh(core_axis_name="c", subcore_axis_name="s"),
    out_type=jax.ShapeDtypeStruct((2 * 2048,), jnp.float32),
    compiler_params=pltpu.CompilerParams(needs_layout_passes=False),
    scratch_types=[
        pltpu.VMEM((_EPT,), jnp.int32),
        pltpu.VMEM((_EPT,), jnp.int32),
        pltpu.VMEM((_EPT,), jnp.float32),
        pltpu.VMEM((_SLC,), jnp.float32),
        pltpu.VMEM((_SLC,), jnp.float32),
        pltpu.VMEM((_SLC,), jnp.float32),
        pltpu.VMEM((_SLC,), jnp.float32),
        pltpu.VMEM((16,), jnp.float32),
        pltpu.VMEM((_SLC,), jnp.float32),
        pltpu.VMEM((360,), jnp.float32),
        pltpu.VMEM((_OPT,), jnp.float32),
        pltpu.VMEM((_FIN,), jnp.float32),
        pltpu.VMEM((_FIN,), jnp.int32),
        pltpu.SemaphoreType.DMA,
        pltpu.SemaphoreType.DMA,
        pltpu.VMEM_SHARED((_N2P,), jnp.float32),
        pltpu.VMEM_SHARED((_N2P,), jnp.float32),
        pltpu.VMEM_SHARED((2048,), jnp.float32),
    ],
)(_sc_agg_body)



def kernel(x1, edge_index1, x2, edge_index2, W1, b1, W2, b2, Wf, bf):
    f32 = jnp.float32
    ei1 = edge_index1.astype(jnp.int32)
    pad1 = jnp.full((2, _E1P - _E1), _N1P - 1, jnp.int32)
    ei1p = jnp.concatenate([ei1, pad1], axis=1)
    x1p = jnp.pad(x1, ((0, _N1P - _N1), (0, 0)))
    w1p = jnp.pad(W1, ((0, 0), (0, 256 - 200)))
    b1p = jnp.pad(b1, (0, 256 - 200)).reshape(1, 256)
    x2p = jnp.pad(x2, ((0, _N2P - _N2), (0, 0)))
    w2p = jnp.pad(W2, ((0, 0), (0, 8 - 2)))

    h1, h2 = pl.pallas_call(
        _tc_dense,
        out_shape=[
            jax.ShapeDtypeStruct((_N1P, 256), f32),
            jax.ShapeDtypeStruct((_N2P, 8), f32),
        ],
    )(ei1p, ei1p.T, x1p, w1p, b1p, x2p, w2p)

    ei2 = edge_index2.astype(jnp.int32)
    pad2 = jnp.full((2, _E2P - _E2), _N2P - 1, jnp.int32)
    ei2p = jnp.concatenate([ei2, pad2], axis=1)
    h_t = h2[:, :2].T.reshape(2 * _N2P)
    b2b = jnp.broadcast_to(b2.reshape(2, 1), (2, 16)).reshape(32)
    ones1 = jnp.ones((_EPT,), jnp.float32)
    wfb = jnp.pad(Wf[68:113, :], ((0, 0), (0, 3))).reshape(360)
    ei_flat = ei2p.reshape(2 * _E2P)
    fdata = jnp.concatenate([h_t, b2b, ones1, wfb])
    sout = _sc_agg(ei_flat, fdata)

    r1 = h1[:_N1, :200].reshape(250, 68)
    r1p = jnp.pad(r1, ((0, 6), (0, 128 - 68)))
    wtp = jnp.pad(Wf[:68, :], ((0, 128 - 68), (0, 3)))
    bfp = jnp.pad(bf, (0, 3)).reshape(1, 8)
    p1 = pl.pallas_call(
        _tc_final,
        out_shape=jax.ShapeDtypeStruct((256, 8), f32),
    )(r1p, wtp, bfp)
    o = p1 + sout[:2048].reshape(256, 8) + sout[2048:].reshape(256, 8)
    return o[:250, :5]

# --- scband reference (transcript-rebuilt; emitter-appended) ---
"""Pipeline reference for scband-spatial-net1-52991306498332 (READ-ONLY COPY).

The authoritative reference and input builder live on the scoring server;
editing this copy changes nothing except your own understanding.
"""

import jax, jax.numpy as jnp
import numpy as np

N1 = 85
N2 = 5625
D_IN = 128


def gcn_conv(x, edge_index, W, b, num_nodes):
    src = edge_index[0]
    dst = edge_index[1]
    loop = jnp.arange(num_nodes, dtype=edge_index.dtype)
    src = jnp.concatenate([src, loop])
    dst = jnp.concatenate([dst, loop])
    deg = jnp.zeros((num_nodes,), dtype=x.dtype).at[dst].add(1.0)
    dinv = jnp.where(deg > 0, deg ** -0.5, 0.0)
    norm = dinv[src] * dinv[dst]
    h = x @ W
    msg = h[src] * norm[:, None]
    out = jnp.zeros((num_nodes, h.shape[1]), dtype=x.dtype).at[dst].add(msg)
    return out + b


def setup_inputs(seed: int = 0) -> dict:
    key = jax.random.key(seed)
    k = jax.random.split(key, 10)
    x1 = jax.random.normal(k[0], (N1, D_IN), dtype=jnp.float32)
    edge_index1 = jax.random.randint(k[1], (2, 2720), 0, N1, dtype=jnp.int64)
    x2 = jax.random.normal(k[2], (N2, D_IN), dtype=jnp.float32)
    edge_index2 = jax.random.randint(k[3], (2, 180000), 0, N2, dtype=jnp.int64)
    W1 = jax.random.normal(k[4], (D_IN, 200), dtype=jnp.float32) * (1.0 / np.sqrt(D_IN))
    b1 = jnp.zeros((200,), dtype=jnp.float32)
    W2 = jax.random.normal(k[5], (D_IN, 2), dtype=jnp.float32) * (1.0 / np.sqrt(D_IN))
    b2 = jnp.zeros((2,), dtype=jnp.float32)
    Wf = jax.random.normal(k[6], (113, 5), dtype=jnp.float32) * (1.0 / np.sqrt(113))
    bf = jax.random.normal(k[7], (5,), dtype=jnp.float32) * 0.01
    return {"x1": x1, "edge_index1": edge_index1, "x2": x2, "edge_index2": edge_index2,
            "W1": W1, "b1": b1, "W2": W2, "b2": b2, "Wf": Wf, "bf": bf}


def reference(x1, edge_index1, x2, edge_index2, W1, b1, W2, b2, Wf, bf):
    h1 = gcn_conv(x1, edge_index1, W1, b1, N1)          # [85, 200]
    h1 = jnp.reshape(h1, (250, 68))
    h2 = gcn_conv(x2, edge_index2, W2, b2, N2)          # [5625, 2]
    h2 = jnp.reshape(h2, (250, 45))
    x = jnp.concatenate((h1, h2), axis=1)               # [250, 113]
    x = jax.nn.relu(x)
    out = x @ Wf + bf                                    # [250, 5]
    return out

if __name__ == "__main__":
    import jax
    _d = setup_inputs()
    print(jax.jit(kernel)(*tuple(_d.values())))

</pallas_src>

<mosaic_0001>
#map = affine_map<(d0, d1) -> (0)>
module attributes {stable_mosaic.version = 14 : i64} {
  func.func @_sc_agg_body(%arg0: i32, %arg1: i32, %arg2: memref<360448xi32, #tpu.memory_space<hbm>>, %arg3: memref<22920xf32, #tpu.memory_space<hbm>>, %arg4: memref<4096xf32, #tpu.memory_space<hbm>>, %arg5: memref<11264xi32, #tpu.memory_space<vmem>>, %arg6: memref<11264xi32, #tpu.memory_space<vmem>>, %arg7: memref<11264xf32, #tpu.memory_space<vmem>>, %arg8: memref<352xf32, #tpu.memory_space<vmem>>, %arg9: memref<352xf32, #tpu.memory_space<vmem>>, %arg10: memref<352xf32, #tpu.memory_space<vmem>>, %arg11: memref<352xf32, #tpu.memory_space<vmem>>, %arg12: memref<16xf32, #tpu.memory_space<vmem>>, %arg13: memref<352xf32, #tpu.memory_space<vmem>>, %arg14: memref<360xf32, #tpu.memory_space<vmem>>, %arg15: memref<128xf32, #tpu.memory_space<vmem>>, %arg16: memref<1760xf32, #tpu.memory_space<vmem>>, %arg17: memref<1760xi32, #tpu.memory_space<vmem>>, %arg18: memref<!tpu.dma_semaphore, #tpu.memory_space<semaphore_mem>>, %arg19: memref<!tpu.dma_semaphore, #tpu.memory_space<semaphore_mem>>, %arg20: memref<5632xf32, #tpu.memory_space<vmem_shared>>, %arg21: memref<5632xf32, #tpu.memory_space<vmem_shared>>, %arg22: memref<2048xf32, #tpu.memory_space<vmem_shared>>) attributes {dimension_semantics = [#tpu.dimension_semantics<core_parallel>, #tpu.dimension_semantics<subcore_parallel>], iteration_bounds = array<i64: 2, 16>, scalar_prefetch = 0 : i64, scratch_operands = 18 : i64, tpu.core_type = #tpu.core_type<sc_vector_subcore>, window_params = [{transform_indices = #map}, {transform_indices = #map}, {transform_indices = #map}]} {
    %mul3A = arith.constant 352 : i32
    %mul3A_0 = arith.muli %arg1, %mul3A : i32
    %mul3A_1 = arith.constant 11264 : i32
    %mul3A_2 = arith.muli %arg1, %mul3A_1 : i32
    %add3A = arith.constant 180224 : i32
    %add3A_3 = arith.addi %add3A, %mul3A_2 : i32
    %dma_start3A = tpu.memref_slice %arg2[%add3A_3] : memref<360448xi32, #tpu.memory_space<hbm>> -> memref<11264xi32, #tpu.memory_space<hbm>>
    %dma_start3A_4 = tpu.memref_slice %arg2[%add3A_3] : memref<360448xi32, #tpu.memory_space<hbm>> -> memref<11264xi32, #tpu.memory_space<hbm>>
    tpu.enqueue_dma source(%dma_start3A_4 : memref<11264xi32, #tpu.memory_space<hbm>>) target(%arg6 : memref<11264xi32, #tpu.memory_space<vmem>>) target_semaphore(%arg18 : memref<!tpu.dma_semaphore, #tpu.memory_space<semaphore_mem>>)
    %dma_start3A_5 = arith.constant 11296 : i32
    %dma_start3A_6 = tpu.memref_slice %arg3[%dma_start3A_5] : memref<22920xf32, #tpu.memory_space<hbm>> -> memref<11264xf32, #tpu.memory_space<hbm>>
    %dma_start3A_7 = arith.constant 11296 : i32
    %dma_start3A_8 = tpu.memref_slice %arg3[%dma_start3A_7] : memref<22920xf32, #tpu.memory_space<hbm>> -> memref<11264xf32, #tpu.memory_space<hbm>>
    tpu.enqueue_dma source(%dma_start3A_8 : memref<11264xf32, #tpu.memory_space<hbm>>) target(%arg7 : memref<11264xf32, #tpu.memory_space<vmem>>) target_semaphore(%arg19 : memref<!tpu.dma_semaphore, #tpu.memory_space<semaphore_mem>>)
    %mul3A_9 = arith.constant 16 : i32
    %mul3A_10 = arith.muli %arg0, %mul3A_9 : i32
    %add3A_11 = arith.constant 11264 : i32
    %add3A_12 = arith.addi %add3A_11, %mul3A_10 : i32
    "tpu.region"() ({
      %run_scoped3A = tpu.sem_alloc : memref<!tpu.dma_semaphore, #tpu.memory_space<semaphore_mem>>
      %dma_start3A_67 = tpu.memref_slice %arg3[%add3A_12] : memref<22920xf32, #tpu.memory_space<hbm>> -> memref<16xf32, #tpu.memory_space<hbm>>
      %dma_start3A_68 = tpu.memref_slice %arg3[%add3A_12] : memref<22920xf32, #tpu.memory_space<hbm>> -> memref<16xf32, #tpu.memory_space<hbm>>
      tpu.enqueue_dma source(%dma_start3A_68 : memref<16xf32, #tpu.memory_space<hbm>>) target(%arg12 : memref<16xf32, #tpu.memory_space<vmem>>) target_semaphore(%run_scoped3A : memref<!tpu.dma_semaphore, #tpu.memory_space<semaphore_mem>>)
      %dma_wait3A_69 = tpu.memref_slice %arg3[%add3A_12] : memref<22920xf32, #tpu.memory_space<hbm>> -> memref<16xf32, #tpu.memory_space<hbm>>
      %dma_wait3A_70 = tpu.memref_slice %arg3[%add3A_12] : memref<22920xf32, #tpu.memory_space<hbm>> -> memref<16xf32, #tpu.memory_space<hbm>>
      tpu.wait_dma2 semaphore(%run_scoped3A : memref<!tpu.dma_semaphore, #tpu.memory_space<semaphore_mem>>) src(%dma_wait3A_70 : memref<16xf32, #tpu.memory_space<hbm>>) dst(%arg12 : memref<16xf32, #tpu.memory_space<vmem>>)
      tpu.yield
    }) : () -> ()
    "tpu.region"() ({
      %run_scoped3A = tpu.sem_alloc : memref<!tpu.dma_semaphore, #tpu.memory_space<semaphore_mem>>
      %dma_start3A_67 = arith.constant 22560 : i32
      %dma_start3A_68 = tpu.memref_slice %arg3[%dma_start3A_67] : memref<22920xf32, #tpu.memory_space<hbm>> -> memref<360xf32, #tpu.memory_space<hbm>>
      %dma_start3A_69 = arith.constant 22560 : i32
      %dma_start3A_70 = tpu.memref_slice %arg3[%dma_start3A_69] : memref<22920xf32, #tpu.memory_space<hbm>> -> memref<360xf32, #tpu.memory_space<hbm>>
      tpu.enqueue_dma source(%dma_start3A_70 : memref<360xf32, #tpu.memory_space<hbm>>) target(%arg14 : memref<360xf32, #tpu.memory_space<vmem>>) target_semaphore(%run_scoped3A : memref<!tpu.dma_semaphore, #tpu.memory_space<semaphore_mem>>)
      %dma_wait3A_71 = arith.constant 22560 : i32
      %dma_wait3A_72 = tpu.memref_slice %arg3[%dma_wait3A_71] : memref<22920xf32, #tpu.memory_space<hbm>> -> memref<360xf32, #tpu.memory_space<hbm>>
      %dma_wait3A_73 = arith.constant 22560 : i32
      %dma_wait3A_74 = tpu.memref_slice %arg3[%dma_wait3A_73] : memref<22920xf32, #tpu.memory_space<hbm>> -> memref<360xf32, #tpu.memory_space<hbm>>
      tpu.wait_dma2 semaphore(%run_scoped3A : memref<!tpu.dma_semaphore, #tpu.memory_space<semaphore_mem>>) src(%dma_wait3A_74 : memref<360xf32, #tpu.memory_space<hbm>>) dst(%arg14 : memref<360xf32, #tpu.memory_space<vmem>>)
      tpu.yield
    }) : () -> ()
    %broadcast_in_dim3A = arith.constant 0.000000e+00 : f32
    %broadcast_in_dim3A_13 = vector.broadcast %broadcast_in_dim3A : f32 to vector<16xf32>
    %scan3A = arith.constant 0 : i32
    %scan3A_14 = arith.constant 0 : i32
    %scan3A_15 = arith.constant 22 : i32
    %scan3A_16 = arith.addi %scan3A_14, %scan3A_15 : i32
    %scan3A_17 = arith.constant 1 : i32
    scf.for %scan3A_67 = %scan3A_14 to %scan3A_16 step %scan3A_17  : i32 {
      %mul3A_68 = arith.constant 16 : i32
      %mul3A_69 = arith.muli %scan3A_67, %mul3A_68 : i32
      %swap3A = arith.index_cast %mul3A_69 : i32 to index
      %swap3A_70 = tpu.vector_load %arg13[%swap3A] {strides = array<i32>} : memref<352xf32, #tpu.memory_space<vmem>>, vector<16xf32>,
      tpu.vector_store %arg13[%swap3A], %broadcast_in_dim3A_13 {strides = array<i32>} : memref<352xf32, #tpu.memory_space<vmem>>, vector<16xf32>,
    }
    %scan3A_18 = arith.constant 22 : i32
    %scan3A_19 = arith.constant 0 : i32
    %scan3A_20 = arith.constant 0 : i32
    %scan3A_21 = arith.constant 8 : i32
    %scan3A_22 = arith.addi %scan3A_20, %scan3A_21 : i32
    %scan3A_23 = arith.constant 1 : i32
    scf.for %scan3A_67 = %scan3A_20 to %scan3A_22 step %scan3A_23  : i32 {
      %mul3A_68 = arith.constant 16 : i32
      %mul3A_69 = arith.muli %scan3A_67, %mul3A_68 : i32
      %swap3A = arith.index_cast %mul3A_69 : i32 to index
      %swap3A_70 = tpu.vector_load %arg15[%swap3A] {strides = array<i32>} : memref<128xf32, #tpu.memory_space<vmem>>, vector<16xf32>,
      tpu.vector_store %arg15[%swap3A], %broadcast_in_dim3A_13 {strides = array<i32>} : memref<128xf32, #tpu.memory_space<vmem>>, vector<16xf32>,
    }
    %scan3A_24 = arith.constant 8 : i32
    "tpu.region"() ({
      %run_scoped3A = tpu.sem_alloc : memref<!tpu.dma_semaphore, #tpu.memory_space<semaphore_mem>>
      %dma_start3A_67 = tpu.memref_slice %arg20[%mul3A_0] : memref<5632xf32, #tpu.memory_space<vmem_shared>> -> memref<352xf32, #tpu.memory_space<vmem_shared>>
      %dma_start3A_68 = tpu.memref_slice %arg20[%mul3A_0] : memref<5632xf32, #tpu.memory_space<vmem_shared>> -> memref<352xf32, #tpu.memory_space<vmem_shared>>
      tpu.enqueue_dma source(%arg13 : memref<352xf32, #tpu.memory_space<vmem>>) target(%dma_start3A_68 : memref<352xf32, #tpu.memory_space<vmem_shared>>) target_semaphore(%run_scoped3A : memref<!tpu.dma_semaphore, #tpu.memory_space<semaphore_mem>>)
      %dma_wait3A_69 = tpu.memref_slice %arg20[%mul3A_0] : memref<5632xf32, #tpu.memory_space<vmem_shared>> -> memref<352xf32, #tpu.memory_space<vmem_shared>>
      %dma_wait3A_70 = tpu.memref_slice %arg20[%mul3A_0] : memref<5632xf32, #tpu.memory_space<vmem_shared>> -> memref<352xf32, #tpu.memory_space<vmem_shared>>
      tpu.wait_dma2 semaphore(%run_scoped3A : memref<!tpu.dma_semaphore, #tpu.memory_space<semaphore_mem>>) src(%arg13 : memref<352xf32, #tpu.memory_space<vmem>>) dst(%dma_wait3A_70 : memref<352xf32, #tpu.memory_space<vmem_shared>>)
      tpu.yield
    }) : () -> ()
    %mul3A_25 = arith.constant 128 : i32
    %mul3A_26 = arith.muli %arg1, %mul3A_25 : i32
    "tpu.region"() ({
      %run_scoped3A = tpu.sem_alloc : memref<!tpu.dma_semaphore, #tpu.memory_space<semaphore_mem>>
      %dma_start3A_67 = tpu.memref_slice %arg22[%mul3A_26] : memref<2048xf32, #tpu.memory_space<vmem_shared>> -> memref<128xf32, #tpu.memory_space<vmem_shared>>
      %dma_start3A_68 = tpu.memref_slice %arg22[%mul3A_26] : memref<2048xf32, #tpu.memory_space<vmem_shared>> -> memref<128xf32, #tpu.memory_space<vmem_shared>>
      tpu.enqueue_dma source(%arg15 : memref<128xf32, #tpu.memory_space<vmem>>) target(%dma_start3A_68 : memref<128xf32, #tpu.memory_space<vmem_shared>>) target_semaphore(%run_scoped3A : memref<!tpu.dma_semaphore, #tpu.memory_space<semaphore_mem>>)
      %dma_wait3A_69 = tpu.memref_slice %arg22[%mul3A_26] : memref<2048xf32, #tpu.memory_space<vmem_shared>> -> memref<128xf32, #tpu.memory_space<vmem_shared>>
      %dma_wait3A_70 = tpu.memref_slice %arg22[%mul3A_26] : memref<2048xf32, #tpu.memory_space<vmem_shared>> -> memref<128xf32, #tpu.memory_space<vmem_shared>>
      tpu.wait_dma2 semaphore(%run_scoped3A : memref<!tpu.dma_semaphore, #tpu.memory_space<semaphore_mem>>) src(%arg15 : memref<128xf32, #tpu.memory_space<vmem>>) dst(%dma_wait3A_70 : memref<128xf32, #tpu.memory_space<vmem_shared>>)
      tpu.yield
    }) : () -> ()
    %dma_wait3A = tpu.memref_slice %arg2[%add3A_3] : memref<360448xi32, #tpu.memory_space<hbm>> -> memref<11264xi32, #tpu.memory_space<hbm>>
    %dma_wait3A_27 = tpu.memref_slice %arg2[%add3A_3] : memref<360448xi32, #tpu.memory_space<hbm>> -> memref<11264xi32, #tpu.memory_space<hbm>>
    tpu.wait_dma2 semaphore(%arg18 : memref<!tpu.dma_semaphore, #tpu.memory_space<semaphore_mem>>) src(%dma_wait3A_27 : memref<11264xi32, #tpu.memory_space<hbm>>) dst(%arg6 : memref<11264xi32, #tpu.memory_space<vmem>>)
    %dma_wait3A_28 = arith.constant 11296 : i32
    %dma_wait3A_29 = tpu.memref_slice %arg3[%dma_wait3A_28] : memref<22920xf32, #tpu.memory_space<hbm>> -> memref<11264xf32, #tpu.memory_space<hbm>>
    %dma_wait3A_30 = arith.constant 11296 : i32
    %dma_wait3A_31 = tpu.memref_slice %arg3[%dma_wait3A_30] : memref<22920xf32, #tpu.memory_space<hbm>> -> memref<11264xf32, #tpu.memory_space<hbm>>
    tpu.wait_dma2 semaphore(%arg19 : memref<!tpu.dma_semaphore, #tpu.memory_space<semaphore_mem>>) src(%dma_wait3A_31 : memref<11264xf32, #tpu.memory_space<hbm>>) dst(%arg7 : memref<11264xf32, #tpu.memory_space<vmem>>)
    %barrier3A = arith.constant 0 : index
    tpu.barrier barrier_id(%barrier3A)
    %dma_start3A_32 = tpu.memref_slice %arg2[%mul3A_2] : memref<360448xi32, #tpu.memory_space<hbm>> -> memref<11264xi32, #tpu.memory_space<hbm>>
    %dma_start3A_33 = tpu.memref_slice %arg2[%mul3A_2] : memref<360448xi32, #tpu.memory_space<hbm>> -> memref<11264xi32, #tpu.memory_space<hbm>>
    tpu.enqueue_dma source(%dma_start3A_33 : memref<11264xi32, #tpu.memory_space<hbm>>) target(%arg5 : memref<11264xi32, #tpu.memory_space<vmem>>) target_semaphore(%arg18 : memref<!tpu.dma_semaphore, #tpu.memory_space<semaphore_mem>>)
    %mul3A_34 = arith.constant 5632 : i32
    %mul3A_35 = arith.muli %arg0, %mul3A_34 : i32
    %add3A_36 = arith.addi %mul3A_35, %mul3A_0 : i32
    %dma_start3A_37 = tpu.memref_slice %arg3[%add3A_36] : memref<22920xf32, #tpu.memory_space<hbm>> -> memref<352xf32, #tpu.memory_space<hbm>>
    %dma_start3A_38 = tpu.memref_slice %arg3[%add3A_36] : memref<22920xf32, #tpu.memory_space<hbm>> -> memref<352xf32, #tpu.memory_space<hbm>>
    tpu.enqueue_dma source(%dma_start3A_38 : memref<352xf32, #tpu.memory_space<hbm>>) target(%arg11 : memref<352xf32, #tpu.memory_space<vmem>>) target_semaphore(%arg19 : memref<!tpu.dma_semaphore, #tpu.memory_space<semaphore_mem>>)
    "tpu.region"() ({
      %run_scoped3A = tpu.sem_alloc : memref<!tpu.dma_semaphore, #tpu.memory_space<semaphore_mem>>
      %dma_start3A_67 = arith.constant 0 : i32
      %dma_start3A_68 = tpu.memref_slice %arg20[%dma_start3A_67] : memref<5632xf32, #tpu.memory_space<vmem_shared>> -> memref<5632xf32, #tpu.memory_space<vmem_shared>>
      tpu.enqueue_indirect_dma source(%arg7 : memref<11264xf32, #tpu.memory_space<vmem>>) target(%dma_start3A_68 : memref<5632xf32, #tpu.memory_space<vmem_shared>>) offsets(%arg6 : memref<11264xi32, #tpu.memory_space<vmem>>) semaphore(%run_scoped3A : memref<!tpu.dma_semaphore, #tpu.memory_space<semaphore_mem>>) {add = true}
      %dma_wait3A_69 = arith.constant 0 : i32
      %dma_wait3A_70 = tpu.memref_slice %arg20[%dma_wait3A_69] : memref<5632xf32, #tpu.memory_space<vmem_shared>> -> memref<5632xf32, #tpu.memory_space<vmem_shared>>
      tpu.wait_indirect_dma semaphore(%run_scoped3A : memref<!tpu.dma_semaphore, #tpu.memory_space<semaphore_mem>>) src(%arg7 : memref<11264xf32, #tpu.memory_space<vmem>>) dst(%dma_wait3A_70 : memref<5632xf32, #tpu.memory_space<vmem_shared>>)
      tpu.yield
    }) : () -> ()
    %dma_wait3A_39 = tpu.memref_slice %arg2[%mul3A_2] : memref<360448xi32, #tpu.memory_space<hbm>> -> memref<11264xi32, #tpu.memory_space<hbm>>
    %dma_wait3A_40 = tpu.memref_slice %arg2[%mul3A_2] : memref<360448xi32, #tpu.memory_space<hbm>> -> memref<11264xi32, #tpu.memory_space<hbm>>
    tpu.wait_dma2 semaphore(%arg18 : memref<!tpu.dma_semaphore, #tpu.memory_space<semaphore_mem>>) src(%dma_wait3A_40 : memref<11264xi32, #tpu.memory_space<hbm>>) dst(%arg5 : memref<11264xi32, #tpu.memory_space<vmem>>)
    %dma_wait3A_41 = tpu.memref_slice %arg3[%add3A_36] : memref<22920xf32, #tpu.memory_space<hbm>> -> memref<352xf32, #tpu.memory_space<hbm>>
    %dma_wait3A_42 = tpu.memref_slice %arg3[%add3A_36] : memref<22920xf32, #tpu.memory_space<hbm>> -> memref<352xf32, #tpu.memory_space<hbm>>
    tpu.wait_dma2 semaphore(%arg19 : memref<!tpu.dma_semaphore, #tpu.memory_space<semaphore_mem>>) src(%dma_wait3A_42 : memref<352xf32, #tpu.memory_space<hbm>>) dst(%arg11 : memref<352xf32, #tpu.memory_space<vmem>>)
    %barrier3A_43 = arith.constant 0 : index
    tpu.barrier barrier_id(%barrier3A_43)
    "tpu.region"() ({
      %run_scoped3A = tpu.sem_alloc : memref<!tpu.dma_semaphore, #tpu.memory_space<semaphore_mem>>
      %dma_start3A_67 = tpu.memref_slice %arg20[%mul3A_0] : memref<5632xf32, #tpu.memory_space<vmem_shared>> -> memref<352xf32, #tpu.memory_space<vmem_shared>>
      %dma_start3A_68 = tpu.memref_slice %arg20[%mul3A_0] : memref<5632xf32, #tpu.memory_space<vmem_shared>> -> memref<352xf32, #tpu.memory_space<vmem_shared>>
      tpu.enqueue_dma source(%dma_start3A_68 : memref<352xf32, #tpu.memory_space<vmem_shared>>) target(%arg8 : memref<352xf32, #tpu.memory_space<vmem>>) target_semaphore(%run_scoped3A : memref<!tpu.dma_semaphore, #tpu.memory_space<semaphore_mem>>)
      %dma_wait3A_69 = tpu.memref_slice %arg20[%mul3A_0] : memref<5632xf32, #tpu.memory_space<vmem_shared>> -> memref<352xf32, #tpu.memory_space<vmem_shared>>
      %dma_wait3A_70 = tpu.memref_slice %arg20[%mul3A_0] : memref<5632xf32, #tpu.memory_space<vmem_shared>> -> memref<352xf32, #tpu.memory_space<vmem_shared>>
      tpu.wait_dma2 semaphore(%run_scoped3A : memref<!tpu.dma_semaphore, #tpu.memory_space<semaphore_mem>>) src(%dma_wait3A_70 : memref<352xf32, #tpu.memory_space<vmem_shared>>) dst(%arg8 : memref<352xf32, #tpu.memory_space<vmem>>)
      tpu.yield
    }) : () -> ()
    %scan3A_44 = arith.constant 0 : i32
    %scan3A_45 = arith.constant 0 : i32
    %scan3A_46 = arith.constant 22 : i32
    %scan3A_47 = arith.addi %scan3A_45, %scan3A_46 : i32
    %scan3A_48 = arith.constant 1 : i32
    scf.for %scan3A_67 = %scan3A_45 to %scan3A_47 step %scan3A_48  : i32 {
      %mul3A_68 = arith.constant 16 : i32
      %mul3A_69 = arith.muli %scan3A_67, %mul3A_68 : i32
      %get3A_70 = arith.index_cast %mul3A_69 : i32 to index
      %get3A_71 = tpu.vector_load %arg8[%get3A_70] {strides = array<i32>} : memref<352xf32, #tpu.memory_space<vmem>>, vector<16xf32>,
      %add3A_72 = arith.constant 1.000000e+00 : f32
      %add3A_73 = vector.broadcast %add3A_72 : f32 to vector<16xf32>
      %add3A_74 = arith.addf %get3A_71, %add3A_73 : vector<16xf32>
      %bitcast3A = vector.bitcast %add3A_74 : vector<16xf32> to vector<16xi32>
      %shift_right_logical3A = arith.constant 1 : i32
      %shift_right_logical3A_75 = vector.broadcast %shift_right_logical3A : i32 to vector<16xi32>
      %shift_right_logical3A_76 = arith.shrui %bitcast3A, %shift_right_logical3A_75 : vector<16xi32>
      %sub3A = arith.constant 1597463007 : i32
      %sub3A_77 = vector.broadcast %sub3A : i32 to vector<16xi32>
      %sub3A_78 = arith.subi %sub3A_77, %shift_right_logical3A_76 : vector<16xi32>
      %bitcast3A_79 = vector.bitcast %sub3A_78 : vector<16xi32> to vector<16xf32>
      %mul3A_80 = arith.constant 5.000000e-01 : f32
      %mul3A_81 = vector.broadcast %mul3A_80 : f32 to vector<16xf32>
      %mul3A_82 = arith.mulf %mul3A_81, %add3A_74 : vector<16xf32>
      %mul3A_83 = arith.mulf %mul3A_82, %bitcast3A_79 : vector<16xf32>
      %mul3A_84 = arith.mulf %mul3A_83, %bitcast3A_79 : vector<16xf32>
      %sub3A_85 = arith.constant 1.500000e+00 : f32
      %sub3A_86 = vector.broadcast %sub3A_85 : f32 to vector<16xf32>
      %sub3A_87 = arith.subf %sub3A_86, %mul3A_84 : vector<16xf32>
      %mul3A_88 = arith.mulf %bitcast3A_79, %sub3A_87 : vector<16xf32>
      %mul3A_89 = arith.constant 5.000000e-01 : f32
      %mul3A_90 = vector.broadcast %mul3A_89 : f32 to vector<16xf32>
      %mul3A_91 = arith.mulf %mul3A_90, %add3A_74 : vector<16xf32>
      %mul3A_92 = arith.mulf %mul3A_91, %mul3A_88 : vector<16xf32>
      %mul3A_93 = arith.mulf %mul3A_92, %mul3A_88 : vector<16xf32>
      %sub3A_94 = arith.constant 1.500000e+00 : f32
      %sub3A_95 = vector.broadcast %sub3A_94 : f32 to vector<16xf32>
      %sub3A_96 = arith.subf %sub3A_95, %mul3A_93 : vector<16xf32>
      %mul3A_97 = arith.mulf %mul3A_88, %sub3A_96 : vector<16xf32>
      %mul3A_98 = arith.constant 5.000000e-01 : f32
      %mul3A_99 = vector.broadcast %mul3A_98 : f32 to vector<16xf32>
      %mul3A_100 = arith.mulf %mul3A_99, %add3A_74 : vector<16xf32>
      %mul3A_101 = arith.mulf %mul3A_100, %mul3A_97 : vector<16xf32>
      %mul3A_102 = arith.mulf %mul3A_101, %mul3A_97 : vector<16xf32>
      %sub3A_103 = arith.constant 1.500000e+00 : f32
      %sub3A_104 = vector.broadcast %sub3A_103 : f32 to vector<16xf32>
      %sub3A_105 = arith.subf %sub3A_104, %mul3A_102 : vector<16xf32>
      %mul3A_106 = arith.mulf %mul3A_97, %sub3A_105 : vector<16xf32>
      %swap3A = arith.index_cast %mul3A_69 : i32 to index
      %swap3A_107 = tpu.vector_load %arg9[%swap3A] {strides = array<i32>} : memref<352xf32, #tpu.memory_space<vmem>>, vector<16xf32>,
      tpu.vector_store %arg9[%swap3A], %mul3A_106 {strides = array<i32>} : memref<352xf32, #tpu.memory_space<vmem>>, vector<16xf32>,
      %get3A_108 = arith.index_cast %mul3A_69 : i32 to index
      %get3A_109 = tpu.vector_load %arg11[%get3A_108] {strides = array<i32>} : memref<352xf32, #tpu.memory_space<vmem>>, vector<16xf32>,
      %mul3A_110 = arith.mulf %mul3A_106, %get3A_109 : vector<16xf32>
      %swap3A_111 = arith.index_cast %mul3A_69 : i32 to index
      %swap3A_112 = tpu.vector_load %arg10[%swap3A_111] {strides = array<i32>} : memref<352xf32, #tpu.memory_space<vmem>>, vector<16xf32>,
      tpu.vector_store %arg10[%swap3A_111], %mul3A_110 {strides = array<i32>} : memref<352xf32, #tpu.memory_space<vmem>>, vector<16xf32>,
    }
    %scan3A_49 = arith.constant 22 : i32
    "tpu.region"() ({
      %run_scoped3A = tpu.sem_alloc : memref<!tpu.dma_semaphore, #tpu.memory_space<semaphore_mem>>
      %dma_start3A_67 = tpu.memref_slice %arg21[%mul3A_0] : memref<5632xf32, #tpu.memory_space<vmem_shared>> -> memref<352xf32, #tpu.memory_space<vmem_shared>>
      %dma_start3A_68 = tpu.memref_slice %arg21[%mul3A_0] : memref<5632xf32, #tpu.memory_space<vmem_shared>> -> memref<352xf32, #tpu.memory_space<vmem_shared>>
      tpu.enqueue_dma source(%arg10 : memref<352xf32, #tpu.memory_space<vmem>>) target(%dma_start3A_68 : memref<352xf32, #tpu.memory_space<vmem_shared>>) target_semaphore(%run_scoped3A : memref<!tpu.dma_semaphore, #tpu.memory_space<semaphore_mem>>)
      %dma_wait3A_69 = tpu.memref_slice %arg21[%mul3A_0] : memref<5632xf32, #tpu.memory_space<vmem_shared>> -> memref<352xf32, #tpu.memory_space<vmem_shared>>
      %dma_wait3A_70 = tpu.memref_slice %arg21[%mul3A_0] : memref<5632xf32, #tpu.memory_space<vmem_shared>> -> memref<352xf32, #tpu.memory_space<vmem_shared>>
      tpu.wait_dma2 semaphore(%run_scoped3A : memref<!tpu.dma_semaphore, #tpu.memory_space<semaphore_mem>>) src(%arg10 : memref<352xf32, #tpu.memory_space<vmem>>) dst(%dma_wait3A_70 : memref<352xf32, #tpu.memory_space<vmem_shared>>)
      tpu.yield
    }) : () -> ()
    %barrier3A_50 = arith.constant 0 : index
    tpu.barrier barrier_id(%barrier3A_50)
    "tpu.region"() ({
      %run_scoped3A = tpu.sem_alloc : memref<!tpu.dma_semaphore, #tpu.memory_space<semaphore_mem>>
      %dma_start3A_67 = arith.constant 0 : i32
      %dma_start3A_68 = tpu.memref_slice %arg21[%dma_start3A_67] : memref<5632xf32, #tpu.memory_space<vmem_shared>> -> memref<5632xf32, #tpu.memory_space<vmem_shared>>
      tpu.enqueue_indirect_dma source(%dma_start3A_68 : memref<5632xf32, #tpu.memory_space<vmem_shared>>) target(%arg7 : memref<11264xf32, #tpu.memory_space<vmem>>) offsets(%arg5 : memref<11264xi32, #tpu.memory_space<vmem>>) semaphore(%run_scoped3A : memref<!tpu.dma_semaphore, #tpu.memory_space<semaphore_mem>>)
      %dma_wait3A_69 = arith.constant 0 : i32
      %dma_wait3A_70 = tpu.memref_slice %arg21[%dma_wait3A_69] : memref<5632xf32, #tpu.memory_space<vmem_shared>> -> memref<5632xf32, #tpu.memory_space<vmem_shared>>
      tpu.wait_indirect_dma semaphore(%run_scoped3A : memref<!tpu.dma_semaphore, #tpu.memory_space<semaphore_mem>>) src(%dma_wait3A_70 : memref<5632xf32, #tpu.memory_space<vmem_shared>>) dst(%arg7 : memref<11264xf32, #tpu.memory_space<vmem>>)
      tpu.yield
    }) : () -> ()
    "tpu.region"() ({
      %run_scoped3A = tpu.sem_alloc : memref<!tpu.dma_semaphore, #tpu.memory_space<semaphore_mem>>
      %dma_start3A_67 = arith.constant 0 : i32
      %dma_start3A_68 = tpu.memref_slice %arg20[%dma_start3A_67] : memref<5632xf32, #tpu.memory_space<vmem_shared>> -> memref<5632xf32, #tpu.memory_space<vmem_shared>>
      tpu.enqueue_indirect_dma source(%arg7 : memref<11264xf32, #tpu.memory_space<vmem>>) target(%dma_start3A_68 : memref<5632xf32, #tpu.memory_space<vmem_shared>>) offsets(%arg6 : memref<11264xi32, #tpu.memory_space<vmem>>) semaphore(%run_scoped3A : memref<!tpu.dma_semaphore, #tpu.memory_space<semaphore_mem>>) {add = true}
      %dma_wait3A_69 = arith.constant 0 : i32
      %dma_wait3A_70 = tpu.memref_slice %arg20[%dma_wait3A_69] : memref<5632xf32, #tpu.memory_space<vmem_shared>> -> memref<5632xf32, #tpu.memory_space<vmem_shared>>
      tpu.wait_indirect_dma semaphore(%run_scoped3A : memref<!tpu.dma_semaphore, #tpu.memory_space<semaphore_mem>>) src(%arg7 : memref<11264xf32, #tpu.memory_space<vmem>>) dst(%dma_wait3A_70 : memref<5632xf32, #tpu.memory_space<vmem_shared>>)
      tpu.yield
    }) : () -> ()
    %barrier3A_51 = arith.constant 0 : index
    tpu.barrier barrier_id(%barrier3A_51)
    "tpu.region"() ({
      %run_scoped3A = tpu.sem_alloc : memref<!tpu.dma_semaphore, #tpu.memory_space<semaphore_mem>>
      %dma_start3A_67 = tpu.memref_slice %arg20[%mul3A_0] : memref<5632xf32, #tpu.memory_space<vmem_shared>> -> memref<352xf32, #tpu.memory_space<vmem_shared>>
      %dma_start3A_68 = tpu.memref_slice %arg20[%mul3A_0] : memref<5632xf32, #tpu.memory_space<vmem_shared>> -> memref<352xf32, #tpu.memory_space<vmem_shared>>
      tpu.enqueue_dma source(%dma_start3A_68 : memref<352xf32, #tpu.memory_space<vmem_shared>>) target(%arg11 : memref<352xf32, #tpu.memory_space<vmem>>) target_semaphore(%run_scoped3A : memref<!tpu.dma_semaphore, #tpu.memory_space<semaphore_mem>>)
      %dma_wait3A_69 = tpu.memref_slice %arg20[%mul3A_0] : memref<5632xf32, #tpu.memory_space<vmem_shared>> -> memref<352xf32, #tpu.memory_space<vmem_shared>>
      %dma_wait3A_70 = tpu.memref_slice %arg20[%mul3A_0] : memref<5632xf32, #tpu.memory_space<vmem_shared>> -> memref<352xf32, #tpu.memory_space<vmem_shared>>
      tpu.wait_dma2 semaphore(%run_scoped3A : memref<!tpu.dma_semaphore, #tpu.memory_space<semaphore_mem>>) src(%dma_wait3A_70 : memref<352xf32, #tpu.memory_space<vmem_shared>>) dst(%arg11 : memref<352xf32, #tpu.memory_space<vmem>>)
      tpu.yield
    }) : () -> ()
    %get3A = arith.constant 0 : index
    %get3A_52 = tpu.vector_load %arg12[%get3A] {strides = array<i32>} : memref<16xf32, #tpu.memory_space<vmem>>, vector<16xf32>,
    %iota3A = tpu.iota {dimensions = array<i32: 0>} : vector<16xi32>
    %scan3A_53 = arith.constant 0 : i32
    %scan3A_54 = arith.constant 0 : i32
    %scan3A_55 = arith.constant 22 : i32
    %scan3A_56 = arith.addi %scan3A_54, %scan3A_55 : i32
    %scan3A_57 = arith.constant 1 : i32
    scf.for %scan3A_67 = %scan3A_54 to %scan3A_56 step %scan3A_57  : i32 {
      %mul3A_68 = arith.constant 16 : i32
      %mul3A_69 = arith.muli %scan3A_67, %mul3A_68 : i32
      %get3A_70 = arith.index_cast %mul3A_69 : i32 to index
      %get3A_71 = tpu.vector_load %arg9[%get3A_70] {strides = array<i32>} : memref<352xf32, #tpu.memory_space<vmem>>, vector<16xf32>,
      %get3A_72 = arith.index_cast %mul3A_69 : i32 to index
      %get3A_73 = tpu.vector_load %arg11[%get3A_72] {strides = array<i32>} : memref<352xf32, #tpu.memory_space<vmem>>, vector<16xf32>,
      %get3A_74 = arith.index_cast %mul3A_69 : i32 to index
      %get3A_75 = tpu.vector_load %arg8[%get3A_74] {strides = array<i32>} : memref<352xf32, #tpu.memory_space<vmem>>, vector<16xf32>,
      %sub3A = arith.subf %get3A_73, %get3A_75 : vector<16xf32>
      %mul3A_76 = arith.mulf %get3A_71, %sub3A : vector<16xf32>
      %get3A_77 = arith.index_cast %mul3A_69 : i32 to index
      %get3A_78 = tpu.vector_load %arg10[%get3A_77] {strides = array<i32>} : memref<352xf32, #tpu.memory_space<vmem>>, vector<16xf32>,
      %mul3A_79 = arith.mulf %get3A_71, %get3A_78 : vector<16xf32>
      %add3A_80 = arith.addf %mul3A_76, %mul3A_79 : vector<16xf32>
      %add3A_81 = arith.addf %add3A_80, %get3A_52 : vector<16xf32>
      %max3A = arith.constant 0.000000e+00 : f32
      %max3A_82 = vector.broadcast %max3A : f32 to vector<16xf32>
      %max3A_83 = arith.maximumf %add3A_81, %max3A_82 : vector<16xf32>
      %mul3A_84 = arith.constant 16 : i32
      %mul3A_85 = arith.muli %scan3A_67, %mul3A_84 : i32
      %add3A_86 = arith.addi %mul3A_0, %mul3A_85 : i32
      %add3A_87 = vector.broadcast %add3A_86 : i32 to vector<16xi32>
      %add3A_88 = arith.addi %iota3A, %add3A_87 : vector<16xi32>
      %mul3A_89 = arith.constant 2 : i32
      %mul3A_90 = vector.broadcast %mul3A_89 : i32 to vector<16xi32>
      %mul3A_91 = arith.muli %mul3A_90, %add3A_88 : vector<16xi32>
      %add3A_92 = vector.broadcast %arg0 : i32 to vector<16xi32>
      %add3A_93 = arith.addi %mul3A_91, %add3A_92 : vector<16xi32>
      %mul3A_94 = arith.constant 46604 : i32
      %mul3A_95 = vector.broadcast %mul3A_94 : i32 to vector<16xi32>
      %mul3A_96 = arith.muli %add3A_93, %mul3A_95 : vector<16xi32>
      %shift_right_logical3A = arith.constant 21 : i32
      %shift_right_logical3A_97 = vector.broadcast %shift_right_logical3A : i32 to vector<16xi32>
      %shift_right_logical3A_98 = arith.shrui %mul3A_96, %shift_right_logical3A_97 : vector<16xi32>
      %mul3A_99 = arith.constant 45 : i32
      %mul3A_100 = vector.broadcast %mul3A_99 : i32 to vector<16xi32>
      %mul3A_101 = arith.muli %mul3A_100, %shift_right_logical3A_98 : vector<16xi32>
      %sub3A_102 = arith.subi %add3A_93, %mul3A_101 : vector<16xi32>
      %mul3A_103 = arith.constant 8 : i32
      %mul3A_104 = vector.broadcast %mul3A_103 : i32 to vector<16xi32>
      %mul3A_105 = arith.muli %sub3A_102, %mul3A_104 : vector<16xi32>
      %mul3A_106 = arith.constant 8 : i32
      %mul3A_107 = vector.broadcast %mul3A_106 : i32 to vector<16xi32>
      %mul3A_108 = arith.muli %shift_right_logical3A_98, %mul3A_107 : vector<16xi32>
      %mul3A_109 = arith.constant 16 : i32
      %mul3A_110 = arith.muli %scan3A_67, %mul3A_109 : i32
      %add3A_111 = arith.constant 0 : i32
      %add3A_112 = arith.addi %add3A_111, %mul3A_110 : i32
      %add3A_113 = arith.constant 0 : i32
      %add3A_114 = vector.broadcast %add3A_113 : i32 to vector<16xi32>
      %add3A_115 = arith.addi %mul3A_105, %add3A_114 : vector<16xi32>
      %gather3A = tpu.vector_load_idx %arg14[%add3A_115] : memref<360xf32, #tpu.memory_space<vmem>>[vector<16xi32>], vector<16xf32>,
      %mul3A_116 = arith.mulf %max3A_83, %gather3A : vector<16xf32>
      %swap3A = arith.index_cast %add3A_112 : i32 to index
      %swap3A_117 = tpu.vector_load %arg16[%swap3A] {strides = array<i32>} : memref<1760xf32, #tpu.memory_space<vmem>>, vector<16xf32>,
      tpu.vector_store %arg16[%swap3A], %mul3A_116 {strides = array<i32>} : memref<1760xf32, #tpu.memory_space<vmem>>, vector<16xf32>,
      %add3A_118 = arith.constant 0 : i32
      %add3A_119 = vector.broadcast %add3A_118 : i32 to vector<16xi32>
      %add3A_120 = arith.addi %mul3A_108, %add3A_119 : vector<16xi32>
      %swap3A_121 = arith.index_cast %add3A_112 : i32 to index
      %swap3A_122 = tpu.vector_load %arg17[%swap3A_121] {strides = array<i32>} : memref<1760xi32, #tpu.memory_space<vmem>>, vector<16xi32>,
      tpu.vector_store %arg17[%swap3A_121], %add3A_120 {strides = array<i32>} : memref<1760xi32, #tpu.memory_space<vmem>>, vector<16xi32>,
      %mul3A_123 = arith.constant 16 : i32
      %mul3A_124 = arith.muli %scan3A_67, %mul3A_123 : i32
      %add3A_125 = arith.constant 352 : i32
      %add3A_126 = arith.addi %add3A_125, %mul3A_124 : i32
      %add3A_127 = arith.constant 1 : i32
      %add3A_128 = vector.broadcast %add3A_127 : i32 to vector<16xi32>
      %add3A_129 = arith.addi %mul3A_105, %add3A_128 : vector<16xi32>
      %gather3A_130 = tpu.vector_load_idx %arg14[%add3A_129] : memref<360xf32, #tpu.memory_space<vmem>>[vector<16xi32>], vector<16xf32>,
      %mul3A_131 = arith.mulf %max3A_83, %gather3A_130 : vector<16xf32>
      %swap3A_132 = arith.index_cast %add3A_126 : i32 to index
      %swap3A_133 = tpu.vector_load %arg16[%swap3A_132] {strides = array<i32>} : memref<1760xf32, #tpu.memory_space<vmem>>, vector<16xf32>,
      tpu.vector_store %arg16[%swap3A_132], %mul3A_131 {strides = array<i32>} : memref<1760xf32, #tpu.memory_space<vmem>>, vector<16xf32>,
      %add3A_134 = arith.constant 1 : i32
      %add3A_135 = vector.broadcast %add3A_134 : i32 to vector<16xi32>
      %add3A_136 = arith.addi %mul3A_108, %add3A_135 : vector<16xi32>
      %swap3A_137 = arith.index_cast %add3A_126 : i32 to index
      %swap3A_138 = tpu.vector_load %arg17[%swap3A_137] {strides = array<i32>} : memref<1760xi32, #tpu.memory_space<vmem>>, vector<16xi32>,
      tpu.vector_store %arg17[%swap3A_137], %add3A_136 {strides = array<i32>} : memref<1760xi32, #tpu.memory_space<vmem>>, vector<16xi32>,
      %mul3A_139 = arith.constant 16 : i32
      %mul3A_140 = arith.muli %scan3A_67, %mul3A_139 : i32
      %add3A_141 = arith.constant 704 : i32
      %add3A_142 = arith.addi %add3A_141, %mul3A_140 : i32
      %add3A_143 = arith.constant 2 : i32
      %add3A_144 = vector.broadcast %add3A_143 : i32 to vector<16xi32>
      %add3A_145 = arith.addi %mul3A_105, %add3A_144 : vector<16xi32>
      %gather3A_146 = tpu.vector_load_idx %arg14[%add3A_145] : memref<360xf32, #tpu.memory_space<vmem>>[vector<16xi32>], vector<16xf32>,
      %mul3A_147 = arith.mulf %max3A_83, %gather3A_146 : vector<16xf32>
      %swap3A_148 = arith.index_cast %add3A_142 : i32 to index
      %swap3A_149 = tpu.vector_load %arg16[%swap3A_148] {strides = array<i32>} : memref<1760xf32, #tpu.memory_space<vmem>>, vector<16xf32>,
      tpu.vector_store %arg16[%swap3A_148], %mul3A_147 {strides = array<i32>} : memref<1760xf32, #tpu.memory_space<vmem>>, vector<16xf32>,
      %add3A_150 = arith.constant 2 : i32
      %add3A_151 = vector.broadcast %add3A_150 : i32 to vector<16xi32>
      %add3A_152 = arith.addi %mul3A_108, %add3A_151 : vector<16xi32>
      %swap3A_153 = arith.index_cast %add3A_142 : i32 to index
      %swap3A_154 = tpu.vector_load %arg17[%swap3A_153] {strides = array<i32>} : memref<1760xi32, #tpu.memory_space<vmem>>, vector<16xi32>,
      tpu.vector_store %arg17[%swap3A_153], %add3A_152 {strides = array<i32>} : memref<1760xi32, #tpu.memory_space<vmem>>, vector<16xi32>,
      %mul3A_155 = arith.constant 16 : i32
      %mul3A_156 = arith.muli %scan3A_67, %mul3A_155 : i32
      %add3A_157 = arith.constant 1056 : i32
      %add3A_158 = arith.addi %add3A_157, %mul3A_156 : i32
      %add3A_159 = arith.constant 3 : i32
      %add3A_160 = vector.broadcast %add3A_159 : i32 to vector<16xi32>
      %add3A_161 = arith.addi %mul3A_105, %add3A_160 : vector<16xi32>
      %gather3A_162 = tpu.vector_load_idx %arg14[%add3A_161] : memref<360xf32, #tpu.memory_space<vmem>>[vector<16xi32>], vector<16xf32>,
      %mul3A_163 = arith.mulf %max3A_83, %gather3A_162 : vector<16xf32>
      %swap3A_164 = arith.index_cast %add3A_158 : i32 to index
      %swap3A_165 = tpu.vector_load %arg16[%swap3A_164] {strides = array<i32>} : memref<1760xf32, #tpu.memory_space<vmem>>, vector<16xf32>,
      tpu.vector_store %arg16[%swap3A_164], %mul3A_163 {strides = array<i32>} : memref<1760xf32, #tpu.memory_space<vmem>>, vector<16xf32>,
      %add3A_166 = arith.constant 3 : i32
      %add3A_167 = vector.broadcast %add3A_166 : i32 to vector<16xi32>
      %add3A_168 = arith.addi %mul3A_108, %add3A_167 : vector<16xi32>
      %swap3A_169 = arith.index_cast %add3A_158 : i32 to index
      %swap3A_170 = tpu.vector_load %arg17[%swap3A_169] {strides = array<i32>} : memref<1760xi32, #tpu.memory_space<vmem>>, vector<16xi32>,
      tpu.vector_store %arg17[%swap3A_169], %add3A_168 {strides = array<i32>} : memref<1760xi32, #tpu.memory_space<vmem>>, vector<16xi32>,
      %mul3A_171 = arith.constant 16 : i32
      %mul3A_172 = arith.muli %scan3A_67, %mul3A_171 : i32
      %add3A_173 = arith.constant 1408 : i32
      %add3A_174 = arith.addi %add3A_173, %mul3A_172 : i32
      %add3A_175 = arith.constant 4 : i32
      %add3A_176 = vector.broadcast %add3A_175 : i32 to vector<16xi32>
      %add3A_177 = arith.addi %mul3A_105, %add3A_176 : vector<16xi32>
      %gather3A_178 = tpu.vector_load_idx %arg14[%add3A_177] : memref<360xf32, #tpu.memory_space<vmem>>[vector<16xi32>], vector<16xf32>,
      %mul3A_179 = arith.mulf %max3A_83, %gather3A_178 : vector<16xf32>
      %swap3A_180 = arith.index_cast %add3A_174 : i32 to index
      %swap3A_181 = tpu.vector_load %arg16[%swap3A_180] {strides = array<i32>} : memref<1760xf32, #tpu.memory_space<vmem>>, vector<16xf32>,
      tpu.vector_store %arg16[%swap3A_180], %mul3A_179 {strides = array<i32>} : memref<1760xf32, #tpu.memory_space<vmem>>, vector<16xf32>,
      %add3A_182 = arith.constant 4 : i32
      %add3A_183 = vector.broadcast %add3A_182 : i32 to vector<16xi32>
      %add3A_184 = arith.addi %mul3A_108, %add3A_183 : vector<16xi32>
      %swap3A_185 = arith.index_cast %add3A_174 : i32 to index
      %swap3A_186 = tpu.vector_load %arg17[%swap3A_185] {strides = array<i32>} : memref<1760xi32, #tpu.memory_space<vmem>>, vector<16xi32>,
      tpu.vector_store %arg17[%swap3A_185], %add3A_184 {strides = array<i32>} : memref<1760xi32, #tpu.memory_space<vmem>>, vector<16xi32>,
    }
    %scan3A_58 = arith.constant 22 : i32
    "tpu.region"() ({
      %run_scoped3A = tpu.sem_alloc : memref<!tpu.dma_semaphore, #tpu.memory_space<semaphore_mem>>
      %dma_start3A_67 = arith.constant 0 : i32
      %dma_start3A_68 = tpu.memref_slice %arg22[%dma_start3A_67] : memref<2048xf32, #tpu.memory_space<vmem_shared>> -> memref<2048xf32, #tpu.memory_space<vmem_shared>>
      tpu.enqueue_indirect_dma source(%arg16 : memref<1760xf32, #tpu.memory_space<vmem>>) target(%dma_start3A_68 : memref<2048xf32, #tpu.memory_space<vmem_shared>>) offsets(%arg17 : memref<1760xi32, #tpu.memory_space<vmem>>) semaphore(%run_scoped3A : memref<!tpu.dma_semaphore, #tpu.memory_space<semaphore_mem>>) {add = true}
      %dma_wait3A_69 = arith.constant 0 : i32
      %dma_wait3A_70 = tpu.memref_slice %arg22[%dma_wait3A_69] : memref<2048xf32, #tpu.memory_space<vmem_shared>> -> memref<2048xf32, #tpu.memory_space<vmem_shared>>
      tpu.wait_indirect_dma semaphore(%run_scoped3A : memref<!tpu.dma_semaphore, #tpu.memory_space<semaphore_mem>>) src(%arg16 : memref<1760xf32, #tpu.memory_space<vmem>>) dst(%dma_wait3A_70 : memref<2048xf32, #tpu.memory_space<vmem_shared>>)
      tpu.yield
    }) : () -> ()
    %barrier3A_59 = arith.constant 0 : index
    tpu.barrier barrier_id(%barrier3A_59)
    %mul3A_60 = arith.constant 128 : i32
    %mul3A_61 = arith.muli %arg1, %mul3A_60 : i32
    "tpu.region"() ({
      %run_scoped3A = tpu.sem_alloc : memref<!tpu.dma_semaphore, #tpu.memory_space<semaphore_mem>>
      %dma_start3A_67 = tpu.memref_slice %arg22[%mul3A_61] : memref<2048xf32, #tpu.memory_space<vmem_shared>> -> memref<128xf32, #tpu.memory_space<vmem_shared>>
      %dma_start3A_68 = tpu.memref_slice %arg22[%mul3A_61] : memref<2048xf32, #tpu.memory_space<vmem_shared>> -> memref<128xf32, #tpu.memory_space<vmem_shared>>
      tpu.enqueue_dma source(%dma_start3A_68 : memref<128xf32, #tpu.memory_space<vmem_shared>>) target(%arg15 : memref<128xf32, #tpu.memory_space<vmem>>) target_semaphore(%run_scoped3A : memref<!tpu.dma_semaphore, #tpu.memory_space<semaphore_mem>>)
      %dma_wait3A_69 = tpu.memref_slice %arg22[%mul3A_61] : memref<2048xf32, #tpu.memory_space<vmem_shared>> -> memref<128xf32, #tpu.memory_space<vmem_shared>>
      %dma_wait3A_70 = tpu.memref_slice %arg22[%mul3A_61] : memref<2048xf32, #tpu.memory_space<vmem_shared>> -> memref<128xf32, #tpu.memory_space<vmem_shared>>
      tpu.wait_dma2 semaphore(%run_scoped3A : memref<!tpu.dma_semaphore, #tpu.memory_space<semaphore_mem>>) src(%dma_wait3A_70 : memref<128xf32, #tpu.memory_space<vmem_shared>>) dst(%arg15 : memref<128xf32, #tpu.memory_space<vmem>>)
      tpu.yield
    }) : () -> ()
    %mul3A_62 = arith.constant 2048 : i32
    %mul3A_63 = arith.muli %arg0, %mul3A_62 : i32
    %mul3A_64 = arith.constant 128 : i32
    %mul3A_65 = arith.muli %arg1, %mul3A_64 : i32
    %add3A_66 = arith.addi %mul3A_63, %mul3A_65 : i32
    "tpu.region"() ({
      %run_scoped3A = tpu.sem_alloc : memref<!tpu.dma_semaphore, #tpu.memory_space<semaphore_mem>>
      %dma_start3A_67 = tpu.memref_slice %arg4[%add3A_66] : memref<4096xf32, #tpu.memory_space<hbm>> -> memref<128xf32, #tpu.memory_space<hbm>>
      %dma_start3A_68 = tpu.memref_slice %arg4[%add3A_66] : memref<4096xf32, #tpu.memory_space<hbm>> -> memref<128xf32, #tpu.memory_space<hbm>>
      tpu.enqueue_dma source(%arg15 : memref<128xf32, #tpu.memory_space<vmem>>) target(%dma_start3A_68 : memref<128xf32, #tpu.memory_space<hbm>>) target_semaphore(%run_scoped3A : memref<!tpu.dma_semaphore, #tpu.memory_space<semaphore_mem>>)
      %dma_wait3A_69 = tpu.memref_slice %arg4[%add3A_66] : memref<4096xf32, #tpu.memory_space<hbm>> -> memref<128xf32, #tpu.memory_space<hbm>>
      %dma_wait3A_70 = tpu.memref_slice %arg4[%add3A_66] : memref<4096xf32, #tpu.memory_space<hbm>> -> memref<128xf32, #tpu.memory_space<hbm>>
      tpu.wait_dma2 semaphore(%run_scoped3A : memref<!tpu.dma_semaphore, #tpu.memory_space<semaphore_mem>>) src(%arg15 : memref<128xf32, #tpu.memory_space<vmem>>) dst(%dma_wait3A_70 : memref<128xf32, #tpu.memory_space<hbm>>)
      tpu.yield
    }) : () -> ()
    return
  }
}

module attributes {stable_mosaic.version = 14 : i64} {
  func.func @_tc_dense(%arg0: memref<2x2816xi32, #tpu.memory_space<vmem>>, %arg1: memref<2816x2xi32, #tpu.memory_space<vmem>>, %arg2: memref<96x128xf32, #tpu.memory_space<vmem>>, %arg3: memref<128x256xf32, #tpu.memory_space<vmem>>, %arg4: memref<1x256xf32, #tpu.memory_space<vmem>>, %arg5: memref<5632x128xf32, #tpu.memory_space<vmem>>, %arg6: memref<128x8xf32, #tpu.memory_space<vmem>>, %arg7: memref<96x256xf32, #tpu.memory_space<vmem>>, %arg8: memref<5632x8xf32, #tpu.memory_space<vmem>>) attributes {dimension_semantics = [], scalar_prefetch = 0 : i64, scratch_operands = 0 : i64, tpu.core_type = #tpu.core_type<tc>} {
    %get3A = arith.constant 1 : index
    %get3A_0 = arith.constant 0 : index
    %get3A_1 = vector.load %arg0[%get3A, %get3A_0] : memref<2x2816xi32, #tpu.memory_space<vmem>>, vector<1x2816xi32>
    %get3A_2 = arith.constant 0 : index
    %get3A_3 = arith.constant 0 : index
    %get3A_4 = vector.load %arg1[%get3A_2, %get3A_3] : memref<2816x2xi32, #tpu.memory_space<vmem>>, vector<2816x1xi32>
    %iota3A = tpu.iota {dimensions = array<i32: 0>} : vector<96x2816xi32>
    %iota3A_5 = tpu.iota {dimensions = array<i32: 1>} : vector<2816x96xi32>
    %eq3A = vector.broadcast %get3A_1 : vector<1x2816xi32> to vector<96x2816xi32>
    %eq3A_6 = arith.cmpi eq, %iota3A, %eq3A : vector<96x2816xi32>
    %jit3A = arith.constant 1.000000e+00 : f32
    %jit3A_7 = arith.constant 0.000000e+00 : f32
    %broadcast_in_dim3A = vector.broadcast %jit3A : f32 to vector<96x2816xf32>
    %broadcast_in_dim3A_8 = vector.broadcast %jit3A_7 : f32 to vector<96x2816xf32>
    %select_n3A = arith.select %eq3A_6, %broadcast_in_dim3A, %broadcast_in_dim3A_8 : vector<96x2816xi1>, vector<96x2816xf32>
    %eq3A_9 = vector.broadcast %get3A_4 : vector<2816x1xi32> to vector<2816x96xi32>
    %eq3A_10 = arith.cmpi eq, %iota3A_5, %eq3A_9 : vector<2816x96xi32>
    %jit3A_11 = arith.constant 1.000000e+00 : f32
    %jit3A_12 = arith.constant 0.000000e+00 : f32
    %broadcast_in_dim3A_13 = vector.broadcast %jit3A_11 : f32 to vector<2816x96xf32>
    %broadcast_in_dim3A_14 = vector.broadcast %jit3A_12 : f32 to vector<2816x96xf32>
    %select_n3A_15 = arith.select %eq3A_10, %broadcast_in_dim3A_13, %broadcast_in_dim3A_14 : vector<2816x96xi1>, vector<2816x96xf32>
    %dot_general3A = arith.constant dense<0.000000e+00> : vector<96x96xf32>
    %dot_general3A_16 = tpu.matmul %select_n3A, %select_n3A_15, %dot_general3A {dimension_numbers = #tpu.dot_dimension_numbers<[1], [0], [0], [1], [0, 0, 1, 1], [], []>, transpose_lhs_hint = false} : vector<96x2816xf32>, vector<2816x96xf32>, vector<96x96xf32> -> vector<96x96xf32>
    %reduce_sum3A = arith.constant dense<0.000000e+00> : vector<96xf32>
    %reduce_sum3A_17 = vector.multi_reduction <add>, %select_n3A, %reduce_sum3A [1] : vector<96x2816xf32> to vector<96xf32>
    %broadcast_in_dim3A_18 = vector.shape_cast %reduce_sum3A_17 : vector<96xf32> to vector<96x1xf32>
    %add3A = arith.constant 1.000000e+00 : f32
    %add3A_19 = vector.broadcast %add3A : f32 to vector<96x1xf32>
    %add3A_20 = arith.addf %broadcast_in_dim3A_18, %add3A_19 : vector<96x1xf32>
    %rsqrt3A = math.rsqrt %add3A_20 : vector<96x1xf32>
    %iota3A_21 = tpu.iota {dimensions = array<i32: 0>} : vector<96x96xi32>
    %iota3A_22 = tpu.iota {dimensions = array<i32: 1>} : vector<96x96xi32>
    %eq3A_23 = arith.cmpi eq, %iota3A_21, %iota3A_22 : vector<96x96xi32>
    %lt3A = arith.constant 85 : i32
    %lt3A_24 = vector.broadcast %lt3A : i32 to vector<96x96xi32>
    %lt3A_25 = arith.cmpi slt, %iota3A_21, %lt3A_24 : vector<96x96xi32>
    %and3A = arith.andi %eq3A_23, %lt3A_25 : vector<96x96xi1>
    %jit3A_26 = arith.constant 1.000000e+00 : f32
    %jit3A_27 = arith.constant 0.000000e+00 : f32
    %broadcast_in_dim3A_28 = vector.broadcast %jit3A_26 : f32 to vector<96x96xf32>
    %broadcast_in_dim3A_29 = vector.broadcast %jit3A_27 : f32 to vector<96x96xf32>
    %select_n3A_30 = arith.select %and3A, %broadcast_in_dim3A_28, %broadcast_in_dim3A_29 : vector<96x96xi1>, vector<96x96xf32>
    %get3A_31 = arith.constant 0 : index
    %get3A_32 = arith.constant 0 : index
    %get3A_33 = vector.load %arg2[%get3A_31, %get3A_32] : memref<96x128xf32, #tpu.memory_space<vmem>>, vector<96x128xf32>
    %get3A_34 = arith.constant 0 : index
    %get3A_35 = arith.constant 0 : index
    %get3A_36 = vector.load %arg3[%get3A_34, %get3A_35] : memref<128x256xf32, #tpu.memory_space<vmem>>, vector<128x256xf32>
    %dot_general3A_37 = arith.constant dense<0.000000e+00> : vector<96x256xf32>
    %dot_general3A_38 = tpu.matmul %get3A_33, %get3A_36, %dot_general3A_37 {dimension_numbers = #tpu.dot_dimension_numbers<[1], [0], [0], [1], [0, 0, 1, 1], [], []>, transpose_lhs_hint = false} : vector<96x128xf32>, vector<128x256xf32>, vector<96x256xf32> -> vector<96x256xf32>
    %add3A_39 = arith.addf %dot_general3A_16, %select_n3A_30 : vector<96x96xf32>
    %mul3A = vector.broadcast %rsqrt3A : vector<96x1xf32> to vector<96x256xf32>
    %mul3A_40 = arith.mulf %mul3A, %dot_general3A_38 : vector<96x256xf32>
    %dot_general3A_41 = arith.constant dense<0.000000e+00> : vector<96x256xf32>
    %dot_general3A_42 = tpu.matmul %add3A_39, %mul3A_40, %dot_general3A_41 {dimension_numbers = #tpu.dot_dimension_numbers<[1], [0], [0], [1], [0, 0, 1, 1], [], []>, transpose_lhs_hint = false} : vector<96x96xf32>, vector<96x256xf32>, vector<96x256xf32> -> vector<96x256xf32>
    %mul3A_43 = vector.broadcast %rsqrt3A : vector<96x1xf32> to vector<96x256xf32>
    %mul3A_44 = arith.mulf %mul3A_43, %dot_general3A_42 : vector<96x256xf32>
    %get3A_45 = arith.constant 0 : index
    %get3A_46 = arith.constant 0 : index
    %get3A_47 = vector.load %arg4[%get3A_45, %get3A_46] : memref<1x256xf32, #tpu.memory_space<vmem>>, vector<1x256xf32>
    %add3A_48 = vector.broadcast %get3A_47 : vector<1x256xf32> to vector<96x256xf32>
    %add3A_49 = arith.addf %mul3A_44, %add3A_48 : vector<96x256xf32>
    %swap3A = arith.constant 0 : index
    %swap3A_50 = arith.constant 0 : index
    %swap3A_51 = vector.load %arg7[%swap3A, %swap3A_50] : memref<96x256xf32, #tpu.memory_space<vmem>>, vector<96x256xf32>
    tpu.vector_store %arg7[%swap3A, %swap3A_50], %add3A_49 {strides = array<i32>} : memref<96x256xf32, #tpu.memory_space<vmem>>, vector<96x256xf32>,
    %get3A_52 = arith.constant 0 : index
    %get3A_53 = arith.constant 0 : index
    %get3A_54 = vector.load %arg5[%get3A_52, %get3A_53] : memref<5632x128xf32, #tpu.memory_space<vmem>>, vector<5632x128xf32>
    %get3A_55 = arith.constant 0 : index
    %get3A_56 = arith.constant 0 : index
    %get3A_57 = vector.load %arg6[%get3A_55, %get3A_56] : memref<128x8xf32, #tpu.memory_space<vmem>>, vector<128x8xf32>
    %dot_general3A_58 = arith.constant dense<0.000000e+00> : vector<5632x8xf32>
    %dot_general3A_59 = tpu.matmul %get3A_54, %get3A_57, %dot_general3A_58 {dimension_numbers = #tpu.dot_dimension_numbers<[1], [0], [0], [1], [0, 0, 1, 1], [], []>, transpose_lhs_hint = false} : vector<5632x128xf32>, vector<128x8xf32>, vector<5632x8xf32> -> vector<5632x8xf32>
    %swap3A_60 = arith.constant 0 : index
    %swap3A_61 = arith.constant 0 : index
    %swap3A_62 = vector.load %arg8[%swap3A_60, %swap3A_61] : memref<5632x8xf32, #tpu.memory_space<vmem>>, vector<5632x8xf32>
    tpu.vector_store %arg8[%swap3A_60, %swap3A_61], %dot_general3A_59 {strides = array<i32>} : memref<5632x8xf32, #tpu.memory_space<vmem>>, vector<5632x8xf32>,
    return
  }
}

module attributes {stable_mosaic.version = 14 : i64} {
  func.func @_tc_final(%arg0: memref<256x128xf32, #tpu.memory_space<vmem>>, %arg1: memref<128x8xf32, #tpu.memory_space<vmem>>, %arg2: memref<1x8xf32, #tpu.memory_space<vmem>>, %arg3: memref<256x8xf32, #tpu.memory_space<vmem>>) attributes {dimension_semantics = [], scalar_prefetch = 0 : i64, scratch_operands = 0 : i64, tpu.core_type = #tpu.core_type<tc>} {
    %get3A = arith.constant 0 : index
    %get3A_0 = arith.constant 0 : index
    %get3A_1 = vector.load %arg0[%get3A, %get3A_0] : memref<256x128xf32, #tpu.memory_space<vmem>>, vector<256x128xf32>
    %max3A = arith.constant 0.000000e+00 : f32
    %max3A_2 = vector.broadcast %max3A : f32 to vector<256x128xf32>
    %max3A_3 = arith.maximumf %get3A_1, %max3A_2 : vector<256x128xf32>
    %get3A_4 = arith.constant 0 : index
    %get3A_5 = arith.constant 0 : index
    %get3A_6 = vector.load %arg1[%get3A_4, %get3A_5] : memref<128x8xf32, #tpu.memory_space<vmem>>, vector<128x8xf32>
    %dot_general3A = arith.constant dense<0.000000e+00> : vector<256x8xf32>
    %dot_general3A_7 = tpu.matmul %max3A_3, %get3A_6, %dot_general3A {dimension_numbers = #tpu.dot_dimension_numbers<[1], [0], [0], [1], [0, 0, 1, 1], [], []>, transpose_lhs_hint = false} : vector<256x128xf32>, vector<128x8xf32>, vector<256x8xf32> -> vector<256x8xf32>
    %get3A_8 = arith.constant 0 : index
    %get3A_9 = arith.constant 0 : index
    %get3A_10 = vector.load %arg2[%get3A_8, %get3A_9] : memref<1x8xf32, #tpu.memory_space<vmem>>, vector<1x8xf32>
    %add3A = vector.broadcast %get3A_10 : vector<1x8xf32> to vector<256x8xf32>
    %add3A_11 = arith.addf %dot_general3A_7, %add3A : vector<256x8xf32>
    %swap3A = arith.constant 0 : index
    %swap3A_12 = arith.constant 0 : index
    %swap3A_13 = vector.load %arg3[%swap3A, %swap3A_12] : memref<256x8xf32, #tpu.memory_space<vmem>>, vector<256x8xf32>
    tpu.vector_store %arg3[%swap3A, %swap3A_12], %add3A_11 {strides = array<i32>} : memref<256x8xf32, #tpu.memory_space<vmem>>, vector<256x8xf32>,
    return
  }
}

</mosaic_0001>

<sc_bundles>
// kernel: kernel.5.cloned.1.call-start
scs
__scs_entry_jumppad:
0x0: {  	(pc) =	sbr.rel $0x88, $3  }
0x1: {  	(tag) =	ssettag $0x0;
	lr =	simm.s32 $0x1  }
0x2: {  	[smem:$0x3F97] =	sst lr;
	_ =	strace $0xD0000000  }
0x3: {  	_ = 	snop  }
0x4: {  	_ = 	snop  }
0x5: {  	_ = 	snop  }
0x6: {  	_ = 	snop  }
0x7: {  	_ = 	snop  }
__scs_overlays_trampoline_lowered:
0x8: {  	[smem:$0x3FA6] =	sst s0  }
0x9: {  	[smem:$0x3FA7] =	sst s1  }
0xa: {  	[smem:$0x3FA8] =	sst s2  }
0xb: {  	[smem:$0x3FA9] =	sst s3  }
0xc: {  	[smem:$0x3FAA] =	sst s4  }
0xd: {  	[smem:$0x3FAB] =	sst s5  }
0xe: {  	[smem:$0x3FAC] =	sst s6  }
0xf: {  	[smem:$0x3FAD] =	sst s7  }
0x10: {  	[smem:$0x3FAE] =	sst s8  }
0x11: {  	[smem:$0x3FAF] =	sst s9;
	s0 =	simm.s32 @!p0 $0x0  }
0x12: {  	s1 =	sld [smem:$0x3F95];
	s0 =	simm.s32 @p0 $0x1  }
0x13: {  	[smem:$0x3FB0] =	sst s0;
	s0 =	simm.s32 @!p1 $0x0  }
0x14: {  	s2 =	sld [smem:$0x3F94];
	s0 =	simm.s32 @p1 $0x1  }
0x15: {  	[smem:$0x3FB1] =	sst s0;
	s0 =	simm.s32 @!p2 $0x0  }
0x16: {  	s3 =	sld [smem:$0x3FDB];
	s0 =	simm.s32 @p2 $0x1  }
0x17: {  	s4 =	simm.s32 $0x1BF5;
	[smem:$0x3FB3] =	sst s0  }
0x18: {  	s0 =	sld [smem:$0x3F96];
	_ =	swait.ge [sflag:s4], $0x0  }
0x19: {  	s7 =	sld [smem:$0x3F97]  }
0x1a: {  	s8 =	sadd.s32 $0xFFFFE003, lr  }
0x1b: {  	s9 =	sadd.s32 $0xFFFFFEF7, lr;
	s5 =	simm.s32 $0xFFFFFFFF;
	p2 =	slt.u32 s8, $0xFFFFF086  }
0x1c: {  	p1 =	slt.u32 s9, $0xF7A;
	s5 =	simm.s32 @!p2 $0x0  }
0x1d: {  	s5 =	simm.s32 @p1 $0x1;
	p0 =	seq.s32 s7, s2  }
0x1e: {  	s7 =	smul.u32 @!p0 $0xF7A, s2;
	p2 =	seq.s32 @!p0 s5, $0x0  }
0x1f: {  	s9 =	smul.u32 $0xF7A, s1;
	s8 =	simm.s32 @!p0 $0x1BF5;
	p2 =	por !p2, p0  }
0x20: {  	[sflag:s8] =	ssyncset.s32 @!p0 $0xFFFFF086;
	s6 =	sadd.s32 @!p0 s3, s7;
	s7 =	simm.s32 @!p0 $0x108  }
0x21: {  	s3 =	sadd.s32 s3, s9;
	s6 =	sadd.s32 @!p0 $0x88, s6;
	s7 =	simm.s32 @p2 $0x1082  }
0x22: {  	[simem:s7], [sflag:s8] =	dma.local @!p0 [hbm:s6], $0xF7A  }
0x23: {  	s9 =	sor.u32 $0xD0000000, s2;
	s6 =	simm.s32 $0x108;
	_ =	swait.ge @!p0 [sflag:s8], $0x0  }
0x24: {  	s3 =	sadd.s32 $0x88, s3;
	s6 =	simm.s32 @!p1 $0x1082;
	[sflag:s4] =	ssyncset.s32 $0xFFFFF086  }
0x25: {  	[simem:s6], [sflag:s4] =	dma.local [hbm:s3], $0xF7A  }
0x26: {  	[smem:$0x3F97] =	sst s1;
	(tag) =	ssettag s2;
	_ =	strace s9  }
0x27: {  	s1 =	sld [smem:$0x3FA7]  }
0x28: {  	s2 =	sld [smem:$0x3FA8]  }
0x29: {  	s4 =	sld [smem:$0x3FAA]  }
0x2a: {  	p0 =	seq.s32 s5, $0x0;
	s5 =	sld [smem:$0x3FAB]  }
0x2b: {  	s6 =	sld [smem:$0x3FAC]  }
0x2c: {  	s7 =	sld [smem:$0x3FAD]  }
0x2d: {  	s3 =	simm.s32 $0x108;
	s8 =	sld [smem:$0x3FAE]  }
0x2e: {  	s3 =	simm.s32 @!p0 $0x1082;
	s9 =	sld [smem:$0x3FAF]  }
0x2f: {  	lr =	sadd.s32 s0, s3;
	s0 =	sld [smem:$0x3FA6]  }
0x30: {  	s3 =	sld [smem:$0x3FA9]  }
0x31: {  	[smem:$0x3FB2] =	sst s10  }
0x32: {  	s10 =	sld [smem:$0x3FB0];
	_ =	sdelay $0x3  }
0x33: {  	p0 =	seq.s32 s10, $0x1;
	s10 =	sld [smem:$0x3FB2];
	_ =	sdelay $0x3  }
0x34: {  	[smem:$0x3FB2] =	sst s10  }
0x35: {  	s10 =	sld [smem:$0x3FB1];
	_ =	sdelay $0x3  }
0x36: {  	p1 =	seq.s32 s10, $0x1;
	s10 =	sld [smem:$0x3FB2];
	_ =	sdelay $0x3  }
0x37: {  	[smem:$0x3FB2] =	sst s10  }
0x38: {  	s10 =	sld [smem:$0x3FB3]  }
0x39: {  	_ = 	snop;
	(pc) =	sbr.ind lr, $3  }
0x3a: {  	_ = 	snop  }
0x3b: {  	_ = 	snop  }
0x3c: {  	p2 =	seq.s32 s10, $0x1;
	s10 =	sld [smem:$0x3FB2]  }
0x3d: {  	_ =	shalt  }
0x3e: {  	_ =	shalt  }
0x3f: {  	_ =	shalt  }
0x40: {  	_ =	shalt  }
0x41: {  	_ =	shalt  }
0x42: {  	_ =	shalt  }
0x43: {  	_ =	shalt  }
0x44: {  	_ =	shalt  }
0x45: {  	_ =	shalt  }
0x46: {  	_ =	shalt  }
0x47: {  	_ =	shalt  }
0x48: {  	_ =	shalt  }
0x49: {  	_ =	shalt  }
0x4a: {  	_ =	shalt  }
0x4b: {  	_ =	shalt  }
0x4c: {  	_ =	shalt  }
0x4d: {  	_ =	shalt  }
0x4e: {  	_ =	shalt  }
0x4f: {  	_ =	shalt  }
0x50: {  	_ =	shalt  }
0x51: {  	_ =	shalt  }
0x52: {  	_ =	shalt  }
0x53: {  	_ =	shalt  }
0x54: {  	_ =	shalt  }
0x55: {  	_ =	shalt  }
0x56: {  	_ =	shalt  }
0x57: {  	_ =	shalt  }
0x58: {  	_ =	shalt  }
0x59: {  	_ =	shalt  }
0x5a: {  	_ =	shalt  }
0x5b: {  	_ =	shalt  }
0x5c: {  	_ =	shalt  }
0x5d: {  	_ =	shalt  }
0x5e: {  	_ =	shalt  }
0x5f: {  	_ =	shalt  }
0x60: {  	_ =	shalt  }
0x61: {  	_ =	shalt  }
0x62: {  	_ =	shalt  }
0x63: {  	_ =	shalt  }
0x64: {  	_ =	shalt  }
0x65: {  	_ =	shalt  }
0x66: {  	_ =	shalt  }
0x67: {  	_ =	shalt  }
0x68: {  	_ =	shalt  }
0x69: {  	_ =	shalt  }
0x6a: {  	_ =	shalt  }
0x6b: {  	_ =	shalt  }
0x6c: {  	_ =	shalt  }
0x6d: {  	_ =	shalt  }
0x6e: {  	_ =	shalt  }
0x6f: {  	_ =	shalt  }
0x70: {  	_ =	shalt  }
0x71: {  	_ =	shalt  }
0x72: {  	_ =	shalt  }
0x73: {  	_ =	shalt  }
0x74: {  	_ =	shalt  }
0x75: {  	_ =	shalt  }
0x76: {  	_ =	shalt  }
0x77: {  	_ =	shalt  }
0x78: {  	_ =	shalt  }
0x79: {  	_ =	shalt  }
0x7a: {  	_ =	shalt  }
0x7b: {  	_ =	shalt  }
0x7c: {  	_ =	shalt  }
0x7d: {  	_ =	shalt  }
0x7e: {  	_ =	shalt  }
0x7f: {  	_ =	shalt  }
0x80: {  	_ =	shalt  }
0x81: {  	_ =	shalt  }
0x82: {  	_ =	shalt  }
0x83: {  	_ =	shalt  }
0x84: {  	_ =	shalt  }
0x85: {  	_ =	shalt  }
0x86: {  	_ =	shalt  }
0x87: {  	_ =	shalt  }
.Lfunc_end0:
.L_simem_size_0:
called_computation_lowered:
.L_overlay_start_0:
0x88: {  	s2 =	sld [smem:$0x3FD9]  }
0x89: {  	s3 =	sld [smem:$0x3FFE];
	_ =	sdelay $0x1  }
0x8a: {  	s1 =	srdreg.scid  }
0x8b: {  	s0 =	sand.u32 $0x1, s1  }
0x8c: {  	s16 =	sshll.u32 s0, $0xA;
	s2 =	sadd.s32 s3, s2  }
0x8d: {  	s2 =	sadd.s32 s2, s16  }
0x8e: {  	[smem:$0x3FBE] =	sst s2  }
0x8f: {  	_ = 	snop  }
0x90: {  	(tm) =	ssettm $0x1  }
0x91: {  	s17 =	sld [smem:$0x3FFB];
	_ =	sdelay $0x3  }
0x92: {  	_ =	strace s17  }
0x93: {  	s2 =	sld [smem:$0x3FFC];
	_ =	sdelay $0x3  }
0x94: {  	_ =	strace s2  }
0x95: {  	s2 =	sld [smem:$0x3FFD];
	_ =	sdelay $0x3  }
0x96: {  	_ =	strace s2  }
0x97: {  	_ =	strace $0x8FFFFFFF  }
0x98: {  	s18 =	sld [smem:$0x3FDB];
	_ =	sdelay $0x1  }
0x99: {  	s19 =	simm.s32 $_scs_section_size  }
0x9a: {  	s4 =	simm.s32 $_size__tile_overlayer_lowered;
	s5 =	simm.s32 $_tile_overlayer_lowered  }
0x9b: {  	s22 =	simm.s32 $0x1BFF;
	s21 =	sshll.u32 s5, $0x1;
	s2 =	sadd.s32 s19, s18  }
0x9c: {  	s6 =	simm.s32 $0x0;
	s20 =	sshll.u32 s4, $0x1;
	s4 =	sadd.s32 s21, s2  }
0x9d: {  	[timem:s6], [sflag:s22] =	dma.local [hbm:s4], s20  }
0x9e: {  	_ =	swait.ge [sflag:s22], s20  }
0x9f: {  	s3 =	ssub.s32 $0x0, s20;
	[sflag:s22] =	ssyncset.done $0x0  }
0xa0: {  	[sflag:s22] =	ssyncadd.s32 s3;
	_ =	sdelay $0x1  }
0xa1: {  	s23 =	simm.s32 $0x1B8B  }
0xa2: {  	_ =	swait.ge [sflag:s23], $0x1  }
0xa3: {  	[sflag:s23] =	ssyncset.done $0x0  }
0xa4: {  	s25 =	simm.s32 $0x1B8E;
	s24 =	sld [smem:$0x3FFE];
	[sflag:s23] =	ssyncadd.s32 $0xFFFFFFFF  }
0xa5: {  	s26 =	simm.s32 $execute0_lowered;
	[smem:$0x3FD2] =	sst s25  }
0xa6: {  	s4 =	sshll.u32 s26, $0x1;
	_ =	strace $0x80000046;
	[dreg:$0x1] =	wrdreg $0xFFFFFFFF  }
0xa7: {  	s28 =	simm.s32 $_size_execute0_lowered;
	s2 =	sadd.s32 s2, s4;
	[dreg:$0x0] =	wrdreg $0x0  }
0xa8: {  	s4 =	sshll.u32 s28, $0x1;
	[dreg:$0x2] =	wrdreg s2  }
0xa9: {  	[dreg:$0x3] =	wrdreg s4  }
0xaa: {  	[dreg:$0x4] =	wrdreg $0xC0  }
0xab: {  	_ =	task [dreg:s6], $0x5FFFF  }
0xac: {  	[dreg:$0x1] =	wrdreg $0xFFFFFFFF  }
0xad: {  	[dreg:$0x0] =	wrdreg $0x60  }
0xae: {  	[dreg:$0x2] =	wrdreg s24  }
0xaf: {  	[dreg:$0x3] =	wrdreg $0x9C000  }
0xb0: {  	[dreg:$0x4] =	wrdreg $0x9EC00  }
0xb1: {  	[dreg:$0x5] =	wrdreg $0x9D600  }
0xb2: {  	[dreg:$0x6] =	wrdreg $0x9  }
0xb3: {  	_ =	task.clear_ibuf [dreg:s6], $0x7FFFF;
	_ =	strace $0x90000046  }
0xb4: {  	s29 =	simm.s32 $0x9;
	_ =	strace $0x80000048  }
0xb5: {  	_ =	swait.ge [sflag:s29], $0x1  }
0xb6: {  	[sflag:s29] =	ssyncadd.s32 $0xFFFFFFFF  }
0xb7: {  	_ =	strace $0x90000048  }
0xb8: {  	_ =	sfence  }
0xb9: {  	s30 =	sld [smem:$0x0];
	_ =	sdelay $0x2  }
0xba: {  	s31 =	sshll.u32 s1, $0xD;
	s1 =	sshrl.u32 s1, $0x2  }
0xbb: {  	s3 =	sand.u32 $0x4000, s31;
	s1 =	sadd.s32 s1, s30  }
0xbc: {  	s0 =	sor.u32 s3, s0;
	s1 =	sshll.u32 s1, $0x11  }
0xbd: {  	s0 =	sor.u32 s1, s0  }
0xbe: {  	s0 =	sadd.s32 $0x8F2B, s0  }
0xbf: {  	[sflag:s0] =	ssyncadd.remote.s32 $0x1  }
0xc0: {  	_ =	sfence.sel $0xFFFF  }
0xc1: {  	[dreg:$0x0] =	wrdreg $0xFFFFFFFF;
	(pc) =	sbr.abs _section_cstart, $3  }
0xc2: {  	[dreg:$0x1] =	wrdreg $0xFFFFFFFF  }
0xc3: {  	_ =	task.clear_ibuf [dreg:s6], $0x2FFFF;
	_ =	strace $0x9FFFFFFF  }
0xc4: {  	(tm) =	ssettm $0x7FFFFFFF  }
0xc5: {  	_ =	shalt  }
tec
execute0_lowered:
.L_overlay_start_1:
0x0: {  	(tag) =	ssettag $0x1  }
0x1: {  	s0 =	rddreg [dreg:$0x0]  }
0x2: {  	s2 =	rddreg [dreg:$0x1]  }
0x3: {  	s12 =	rddreg [dreg:$0x2]  }
0x4: {  	s15 =	rddreg [dreg:$0x3];
	s11 =	stileid.u32;
	s5 =	simm.s32 $0x0  }
0x5: {  	s3 =	srdreg.scid;
	s18 =	simm.s32 $0x2C00;
	s19 =	simm.s32 $0x5800  }
0x6: {  	s21 =	simm.s32 $0x3;
	s22 =	simm.s32 $0x8C00;
	s24 =	simm.s32 $0x8D80  }
0x7: {  	s25 =	simm.s32 $0x1;
	s28 =	simm.s32 $0x8880;
	s1 =	smul.u32 $0x2C00, s11  }
0x8: {  	[smem:$0x7FF] =	sst s5;
	s3 =	sand.u32 $0x1, s3;
	s6 =	sshll.u32 s11, $0x4  }
0x9: {  	s14 =	sadd.s32 $0xC800, s0;
	s8 =	sadd.s32 $0xCD84, s0;
	s10 =	sadd.s32 $0xD304, s0  }
0xa: {  	s26 =	sshll.u32 s11, $0x7;
	_ =	strace $0x80000047;
	s4 =	ssub.s32 $0x2, s3  }
0xb: {  	s16 =	sadd.s32 s6, s0;
	s6 =	smul.u32 $0x160, s11;
	s9 =	sshll.u32 s3, $0x1  }
0xc: {  	s13 =	smul.u32 $0x1600, s3;
	s12 =	sadd.s32 s26, s12;
	s30 =	sshll.u32 s3, $0x8  }
0xd: {  	s26 =	simm.s32 $0x2;
	v0 =	vmov s3;
	s3 =	simm.s32 $0x0;
	s1 =	sshrl.u32 s1, $0x3  }
0xe: {  	s7 =	sshrl.u32 s4, $0x1;
	s9 =	sadd.s32 s9, s14;
	s31 =	sadd.s32 s30, s16  }
0xf: {  	s1 =	sadd.s32 s1, s0;
	s4 =	ssub.s32 s4, s7;
	s9 =	sadd.s32 $0x580, s9  }
0x10: {  	s11 =	sadd.s32 s6, s2;
	s29 =	sadd.s32 s6, s13;
	s15 =	sadd.s32 s6, s15  }
0x11: {  	v2 =	vlaneseq.u32;
	s16 =	sadd.s32 $0xD400, s31;
	s7 =	sadd.s32 $0x7000, s1;
	s0 =	sshrl.u32 s29, $0x3  }
0x12: {  	v1 =	vimm.f32 $0.0e+00;
	v2 =	vmul.u32 $0x2, v2;
	s13 =	sadd.s32 $0x1800, s1;
	s17 =	smax.u32 s4, $0x1;
	s14 =	sadd.s32 s14, s0  }
.LBB2_1:
0x13: {  	[tilespmem:s18], [sflag:$0x1] =	stream.linear.gather [hbm4b:s7+s5], $0x2C00, $0x38;
	[tilespmem:$0x9F40] =	vst v63  }
0x14: {  	_ = 	snop  }
0x15: {  	[tilespmem:s19], [sflag:$0x2] =	stream.linear.gather [hbm4b:s8+s5], $0x2C00, $0x38;
	[tilespmem:$0x9F40] =	vst v63  }
0x16: {  	s0 =	simm.s32 $0x8A00  }
0x17: {  	[tilespmem:s0], [sflag:$0x3] =	stream.linear.gather [hbm4b:s9+s5], $0x10, $0x38;
	[tilespmem:$0x9F40] =	vst v63  }
0x18: {  	_ =	swait.ge [sflag:s21], $0x10  }
0x19: {  	[sflag:s21] =	ssyncset.done $0x0  }
0x1a: {  	[sflag:s21] =	ssyncadd.s32 $0xFFFFFFF0  }
0x1b: {  	[tilespmem:s22], [sflag:$0x3] =	stream.linear.gather [hbm4b:s10+s5], $0x168, $0x38;
	[tilespmem:$0x9F40] =	vst v63  }
0x1c: {  	_ =	swait.ge [sflag:s21], $0x168  }
0x1d: {  	[sflag:s21] =	ssyncset.done $0x0  }
0x1e: {  	[sflag:s21] =	ssyncadd.s32 $0xFFFFFE98  }
0x1f: {  	[tilespmem:$0x8A80] =	vst v1  }
0x20: {  	[tilespmem:$0x8A90] =	vst v1  }
0x21: {  	[tilespmem:$0x8AA0] =	vst v1  }
0x22: {  	[tilespmem:$0x8AB0] =	vst v1  }
0x23: {  	[tilespmem:$0x8AC0] =	vst v1  }
0x24: {  	[tilespmem:$0x8AD0] =	vst v1  }
0x25: {  	[tilespmem:$0x8AE0] =	vst v1  }
0x26: {  	[tilespmem:$0x8AF0] =	vst v1  }
0x27: {  	[tilespmem:$0x8B00] =	vst v1  }
0x28: {  	[tilespmem:$0x8B10] =	vst v1  }
0x29: {  	[tilespmem:$0x8B20] =	vst v1  }
0x2a: {  	[tilespmem:$0x8B30] =	vst v1  }
0x2b: {  	[tilespmem:$0x8B40] =	vst v1  }
0x2c: {  	[tilespmem:$0x8B50] =	vst v1  }
0x2d: {  	[tilespmem:$0x8B60] =	vst v1  }
0x2e: {  	[tilespmem:$0x8B70] =	vst v1  }
0x2f: {  	[tilespmem:$0x8B80] =	vst v1  }
0x30: {  	[tilespmem:$0x8B90] =	vst v1  }
0x31: {  	[tilespmem:$0x8BA0] =	vst v1  }
0x32: {  	[tilespmem:$0x8BB0] =	vst v1  }
0x33: {  	[tilespmem:$0x8BC0] =	vst v1  }
0x34: {  	[tilespmem:$0x8BD0] =	vst v1  }
0x35: {  	[tilespmem:$0x8D80] =	vst v1  }
0x36: {  	[tilespmem:$0x8D90] =	vst v1  }
0x37: {  	[tilespmem:$0x8DA0] =	vst v1  }
0x38: {  	[tilespmem:$0x8DB0] =	vst v1  }
0x39: {  	[tilespmem:$0x8DC0] =	vst v1  }
0x3a: {  	[tilespmem:$0x8DD0] =	vst v1  }
0x3b: {  	[tilespmem:$0x8DE0] =	vst v1  }
0x3c: {  	s20 =	simm.s32 $0x8A80;
	[tilespmem:$0x8DF0] =	vst v1  }
0x3d: {  	[spmem:s11] =	stream.linear.scatter [tilespmem:s20], [sflag:$0x3], $0x160, $0x38;
	[tilespmem:$0x9F40] =	vst v63  }
0x3e: {  	_ =	swait.ge [sflag:s21], $0x160  }
0x3f: {  	[sflag:s21] =	ssyncset.done $0x0  }
0x40: {  	[sflag:s21] =	ssyncadd.s32 $0xFFFFFEA0  }
0x41: {  	[spmem:s12] =	stream.linear.scatter [tilespmem:s24], [sflag:$0x3], $0x80, $0x38;
	[tilespmem:$0x9F40] =	vst v63  }
0x42: {  	_ =	swait.ge [sflag:s21], $0x80  }
0x43: {  	[sflag:s21] =	ssyncset.done $0x0  }
0x44: {  	[sflag:s21] =	ssyncadd.s32 $0xFFFFFF80  }
0x45: {  	_ =	swait.ge [sflag:s25], $0x2C00  }
0x46: {  	[sflag:s25] =	ssyncset.done $0x0  }
0x47: {  	[sflag:s25] =	ssyncadd.s32 $0xFFFFD400  }
0x48: {  	_ =	swait.ge [sflag:s26], $0x2C00  }
0x49: {  	[sflag:s26] =	ssyncset.done $0x0  }
0x4a: {  	[sflag:s26] =	ssyncadd.s32 $0xFFFFD400  }
0x4b: {  	[bflag:$0x0] =	sbarrier.arrive $0xFFFF  }
0x4c: {  	[tilespmem:s5], [sflag:$0x1] =	stream.linear.gather [hbm4b:s13+s5], $0x2C00, $0x38;
	[tilespmem:$0x9F40] =	vst v63  }
0x4d: {  	_ = 	snop  }
0x4e: {  	[tilespmem:s28], [sflag:$0x2] =	stream.linear.gather [hbm4b:s14+s5], $0x160, $0x38;
	[tilespmem:$0x9F40] =	vst v63  }
0x4f: {  	_ = 	snop  }
0x50: {  	[spmem:s2] =	stream.indirect.scatter.add.f32 [tilespmem:s19], [sflag:$0x3], $0x1, s18, s18, $0xb8;
	[tilespmem:$0x9F40] =	vst v63  }
0x51: {  	_ =	swait.ge [sflag:s21], $0x2C00  }
0x52: {  	[sflag:s21] =	ssyncset.done $0x0  }
0x53: {  	[sflag:s21] =	ssyncadd.s32 $0xFFFFD400  }
0x54: {  	_ =	swait.ge [sflag:s25], $0x2C00  }
0x55: {  	[sflag:s25] =	ssyncset.done $0x0  }
0x56: {  	[sflag:s25] =	ssyncadd.s32 $0xFFFFD400  }
0x57: {  	_ =	swait.ge [sflag:s26], $0x160  }
0x58: {  	[sflag:s26] =	ssyncset.done $0x0  }
0x59: {  	[sflag:s26] =	ssyncadd.s32 $0xFFFFFEA0  }
0x5a: {  	s23 =	simm.s32 $0x8400;
	[bflag:$0x0] =	sbarrier.arrive $0xFFFF  }
0x5b: {  	[tilespmem:s23], [sflag:$0x3] =	stream.linear.gather [spmem:s11], $0x160, $0x38;
	[tilespmem:$0x9F40] =	vst v63  }
0x5c: {  	_ =	swait.ge [sflag:s21], $0x160  }
0x5d: {  	[sflag:s21] =	ssyncset.done $0x0  }
0x5e: {  	s30 =	simm.s32 $0x0;
	[sflag:s21] =	ssyncadd.s32 $0xFFFFFEA0  }
0x5f: {  	v3 =	vld [tilespmem:s30+$0x8400];
	_ =	sdelay $0x3  }
0x60: {  	s23 =	simm.s32 $0x10  }
0x61: {  	v4 =	vld [tilespmem:s23+$0x8400];
	v3 =	vadd.f32 $1.000000000e+00, v3;
	_ =	sdelay $0x1  }
0x62: {  	v5 =	vshrl.u32 v3, $0x1;
	v6 =	vmul.f32 $5.000000000e-01, v3  }
0x63: {  	v3 =	vsub.s32 $0x5F3759DF, v5  }
0x64: {  	v5 =	vmul.f32 v3, v6  }
0x65: {  	s4 =	simm.s32 $0x20;
	v4 =	vadd.f32 $1.000000000e+00, v4  }
0x66: {  	v7 =	vld [tilespmem:s4+$0x8400];
	v5 =	vmul.f32 v3, v5  }
0x67: {  	v8 =	vshrl.u32 v4, $0x1;
	v11 =	vmul.f32 $5.000000000e-01, v4  }
0x68: {  	v4 =	vsub.f32 $1.500000000e+00, v5;
	v5 =	vsub.s32 $0x5F3759DF, v8  }
0x69: {  	v8 =	vmul.f32 v5, v11  }
0x6a: {  	s20 =	simm.s32 $0x30;
	v3 =	vmul.f32 v3, v4  }
0x6b: {  	v4 =	vadd.f32 $1.000000000e+00, v7;
	v7 =	vld [tilespmem:s20+$0x8400];
	v8 =	vmul.f32 v5, v8  }
0x6c: {  	v9 =	vmul.f32 v3, v6  }
0x6d: {  	v10 =	vshrl.u32 v4, $0x1;
	v4 =	vmul.f32 $5.000000000e-01, v4;
	v8 =	vsub.f32 $1.500000000e+00, v8  }
0x6e: {  	v10 =	vsub.s32 $0x5F3759DF, v10;
	v9 =	vmul.f32 v9, v3  }
0x6f: {  	v12 =	vmul.f32 v10, v4;
	v5 =	vmul.f32 v5, v8  }
0x70: {  	v7 =	vadd.f32 $1.000000000e+00, v7;
	v8 =	vsub.f32 $1.500000000e+00, v9  }
0x71: {  	v9 =	vmul.f32 v10, v12;
	v12 =	vmul.f32 v5, v11  }
0x72: {  	s29 =	simm.s32 $0x40;
	v16 =	vmul.f32 v8, v3;
	v8 =	vshrl.u32 v7, $0x1;
	v3 =	vmul.f32 $5.000000000e-01, v7  }
0x73: {  	v13 =	vld [tilespmem:s29+$0x8400];
	v7 =	vsub.f32 $1.500000000e+00, v9;
	v12 =	vmul.f32 v12, v5;
	v9 =	vsub.s32 $0x5F3759DF, v8  }
0x74: {  	v8 =	vmul.f32 v9, v3  }
0x75: {  	v6 =	vmul.f32 v16, v6;
	v7 =	vmul.f32 v10, v7;
	v10 =	vsub.f32 $1.500000000e+00, v12  }
0x76: {  	s31 =	simm.s32 $0x50;
	v8 =	vmul.f32 v9, v8  }
0x77: {  	v6 =	vmul.f32 v6, v16;
	v5 =	vmul.f32 v10, v5;
	v10 =	vld [tilespmem:s31+$0x8400]  }
0x78: {  	v13 =	vadd.f32 $1.000000000e+00, v13;
	v12 =	vmul.f32 v7, v4;
	v14 =	vsub.f32 $1.500000000e+00, v8;
	v8 =	vld [tilespmem:s30+$0x8880]  }
0x79: {  	v17 =	vsub.f32 $1.500000000e+00, v6  }
0x7a: {  	v15 =	vshrl.u32 v13, $0x1;
	v6 =	vmul.f32 $5.000000000e-01, v13;
	v13 =	vmul.f32 v12, v7  }
0x7b: {  	s0 =	simm.s32 $0x180;
	v12 =	vsub.s32 $0x5F3759DF, v15;
	v15 =	vmul.f32 v5, v11;
	v11 =	vmul.f32 v17, v16  }
.LBB2_2:
0x7c: {  	s1 =	sshra.s32 s0, $0x2;
	v16 =	vadd.f32 $1.000000000e+00, v10;
	v17 =	vmul.f32 v12, v6;
	v14 =	vmul.f32 v9, v14;
	v18 =	vmovc v3;
	v3 =	vmovc v6;
	p0 =	sne.s32 s0, $0x540  }
.Ltmp0:
0x7d: {  	v6 =	vsub.f32 $1.500000000e+00, v13;
	v9 =	vmovc v12;
	v10 =	vld [tilespmem:s1+$0x8400];
	v13 =	vmul.f32 v15, v5;
	[tilespmem:s30+$0x8580] =	vst v11;
	v11 =	vmul.f32 v11, v8;
	(pc) =	sbr.rel @p0 .LBB2_2-.Ltmp0, $4  }
0x7e: {  	v12 =	vmul.f32 v9, v17;
	v15 =	vmul.f32 v14, v18;
	v8 =	vld [tilespmem:s23+$0x8880]  }
0x7f: {  	s0 =	sadd.s32 $0x40, s0;
	v17 =	vshrl.u32 v16, $0x1;
	v19 =	vmul.f32 v6, v7;
	v7 =	vmovc v14;
	v20 =	vsub.f32 $1.500000000e+00, v13;
	[tilespmem:s30+$0x8700] =	vst v11;
	s30 =	smov.u32 s23  }
0x80: {  	v6 =	vmul.f32 $5.000000000e-01, v16;
	s23 =	smov.u32 s4;
	s4 =	smov.u32 s20;
	s20 =	smov.u32 s29;
	v14 =	vsub.f32 $1.500000000e+00, v12;
	v13 =	vmul.f32 v15, v7  }
0x81: {  	s29 =	smov.u32 s31;
	s31 =	smov.u32 s1;
	v12 =	vsub.s32 $0x5F3759DF, v17;
	v15 =	vmul.f32 v19, v4;
	v4 =	vmovc v18;
	v11 =	vmul.f32 v20, v5;
	v5 =	vmovc v19  }
0x82: {  	v16 =	vmul.f32 v12, v6;
	_ =	sdelay $0x1  }
0x83: {  	v10 =	vadd.f32 $1.000000000e+00, v10;
	v16 =	vmul.f32 v12, v16  }
0x84: {  	v9 =	vmul.f32 v9, v14;
	v13 =	vsub.f32 $1.500000000e+00, v13;
	v48 =	vmul.f32 v15, v5  }
0x85: {  	v49 =	vshrl.u32 v10, $0x1;
	v10 =	vmul.f32 $5.000000000e-01, v10;
	v16 =	vsub.f32 $1.500000000e+00, v16  }
0x86: {  	v17 =	vmul.f32 v9, v3;
	v7 =	vmul.f32 v13, v7;
	v50 =	vsub.s32 $0x5F3759DF, v49  }
0x87: {  	[tilespmem:s30+$0x8580] =	vst v11;
	v15 =	vmul.f32 v50, v10;
	v51 =	vmul.f32 v12, v16  }
0x88: {  	v52 =	vld [tilespmem:s23+$0x8880];
	v17 =	vmul.f32 v17, v9;
	v4 =	vmul.f32 v7, v4  }
0x89: {  	v14 =	vsub.f32 $1.500000000e+00, v48;
	v15 =	vmul.f32 v50, v15;
	v18 =	vmul.f32 v51, v6  }
0x8a: {  	v8 =	vmul.f32 v11, v8;
	v53 =	vsub.f32 $1.500000000e+00, v17;
	v4 =	vmul.f32 v4, v7  }
0x8b: {  	v5 =	vmul.f32 v14, v5;
	v54 =	vsub.f32 $1.500000000e+00, v15;
	v55 =	vmul.f32 v18, v51  }
0x8c: {  	[tilespmem:s30+$0x8700] =	vst v8;
	v8 =	vmul.f32 v53, v9;
	v4 =	vsub.f32 $1.500000000e+00, v4  }
0x8d: {  	[tilespmem:s23+$0x8580] =	vst v5;
	v5 =	vmul.f32 v5, v52;
	v56 =	vmul.f32 v50, v54;
	v57 =	vsub.f32 $1.500000000e+00, v55  }
0x8e: {  	v58 =	vld [tilespmem:s4+$0x8880];
	v3 =	vmul.f32 v8, v3;
	v4 =	vmul.f32 v4, v7  }
0x8f: {  	[tilespmem:s23+$0x8700] =	vst v5;
	v5 =	vmul.f32 v56, v10;
	v7 =	vmul.f32 v57, v51  }
0x90: {  	v3 =	vmul.f32 v3, v8;
	[tilespmem:s4+$0x8580] =	vst v4  }
0x91: {  	v59 =	vld [tilespmem:s20+$0x8880];
	v5 =	vmul.f32 v5, v56;
	v6 =	vmul.f32 v7, v6  }
0x92: {  	v3 =	vsub.f32 $1.500000000e+00, v3  }
0x93: {  	v4 =	vmul.f32 v4, v58;
	v5 =	vsub.f32 $1.500000000e+00, v5;
	v6 =	vmul.f32 v6, v7  }
0x94: {  	v3 =	vmul.f32 v3, v8  }
0x95: {  	[tilespmem:s4+$0x8700] =	vst v4;
	v4 =	vmul.f32 v5, v56;
	v5 =	vsub.f32 $1.500000000e+00, v6  }
0x96: {  	[tilespmem:s20+$0x8580] =	vst v3;
	v3 =	vmul.f32 v3, v59  }
0x97: {  	v8 =	vmul.f32 v4, v10;
	v5 =	vmul.f32 v5, v7  }
0x98: {  	v6 =	vld [tilespmem:s29+$0x8880];
	[tilespmem:s20+$0x8700] =	vst v3  }
0x99: {  	v3 =	vmul.f32 v8, v4;
	[tilespmem:s29+$0x8580] =	vst v5  }
0x9a: {  	v7 =	vld [tilespmem:s31+$0x8880]  }
0x9b: {  	v3 =	vsub.f32 $1.500000000e+00, v3;
	_ =	sdelay $0x1  }
0x9c: {  	v5 =	vmul.f32 v5, v6;
	v3 =	vmul.f32 v3, v4;
	_ =	sdelay $0x1  }
0x9d: {  	[tilespmem:s29+$0x8700] =	vst v5;
	v4 =	vmul.f32 v3, v7  }
0x9e: {  	[tilespmem:s31+$0x8580] =	vst v3  }
0x9f: {  	s0 =	simm.s32 $0x8700;
	[tilespmem:s31+$0x8700] =	vst v4  }
0xa0: {  	[spmem:s15] =	stream.linear.scatter [tilespmem:s0], [sflag:$0x3], $0x160, $0x38;
	[tilespmem:$0x9F40] =	vst v63  }
0xa1: {  	_ =	swait.ge [sflag:s21], $0x160  }
0xa2: {  	[sflag:s21] =	ssyncset.done $0x0  }
0xa3: {  	[sflag:s21] =	ssyncadd.s32 $0xFFFFFEA0  }
0xa4: {  	[bflag:$0x0] =	sbarrier.arrive $0xFFFF  }
0xa5: {  	s4 =	simm.s32 $0x0;
	s23 =	rddreg [dreg:$0x3]  }
0xa6: {  	[tilespmem:s19], [sflag:$0x3] =	stream.indirect.gather [spmem:s23], $0x1, s4, s18, $0xb8;
	[tilespmem:$0x9F40] =	vst v63  }
0xa7: {  	_ =	swait.ge [sflag:s21], $0x2C00  }
0xa8: {  	[sflag:s21] =	ssyncset.done $0x0  }
0xa9: {  	[sflag:s21] =	ssyncadd.s32 $0xFFFFD400  }
0xaa: {  	[spmem:s2] =	stream.indirect.scatter.add.f32 [tilespmem:s19], [sflag:$0x3], $0x1, s18, s18, $0xb8;
	[tilespmem:$0x9F40] =	vst v63  }
0xab: {  	_ =	swait.ge [sflag:s21], $0x2C00  }
0xac: {  	[sflag:s21] =	ssyncset.done $0x0  }
0xad: {  	s30 =	sadd.s32 $0x0, s6;
	[sflag:s21] =	ssyncadd.s32 $0xFFFFD400  }
0xae: {  	v3 =	vmov s30;
	[bflag:$0x0] =	sbarrier.arrive $0xFFFF  }
0xaf: {  	v3 =	vshll.u32 v3, $0x1;
	[tilespmem:s28], [sflag:$0x3] =	stream.linear.gather [spmem:s11], $0x160, $0x38;
	[tilespmem:$0x9F40] =	vst v63  }
0xb0: {  	v3 =	vor.u32 v2, v3;
	_ =	swait.ge [sflag:s21], $0x160  }
0xb1: {  	v3 =	vor.u32 v0, v3;
	[sflag:s21] =	ssyncset.done $0x0  }
0xb2: {  	s31 =	simm.s32 $0x0;
	v4 =	vmul.u32 $0xB60C, v3;
	[sflag:s21] =	ssyncadd.s32 $0xFFFFFEA0  }
0xb3: {  	v5 =	vld [tilespmem:s31+$0x8400]  }
0xb4: {  	v6 =	vshrl.u32 v4, $0x15;
	v4 =	vld [tilespmem:s31+$0x8880]  }
0xb5: {  	v7 =	vmul.u32 $0x1FFFFFD3, v6;
	v8 =	vld [tilespmem:s31+$0x8700]  }
0xb6: {  	v60 =	vld [tilespmem:s31+$0x8580]  }
0xb7: {  	v3 =	vadd.s32 v3, v7  }
0xb8: {  	v7 =	vshll.u32 v3, $0x3  }
0xb9: {  	v4 =	vsub.f32 v4, v5  }
0xba: {  	v3 =	vld [tilespmem:$0x8A00]  }
0xbb: {  	v5 =	vmul.f32 v8, v60;
	v4 =	vmul.f32 v4, v60;
	_ =	sdelay $0x1  }
0xbc: {  	v8 =	vld.idx.msk [tilespmem:v7+s22+$0x0], $0xffff;
	v4 =	vadd.f32 v5, v4;
	_ =	sdelay $0x1  }
0xbd: {  	v4 =	vadd.f32 v4, v3  }
0xbe: {  	v5 =	vor.u32 $0x1, v7  }
0xbf: {  	v4 =	vmax.f32 v4, $0.0e+00  }
0xc0: {  	v6 =	vshll.u32 v6, $0x3;
	v8 =	vmul.f32 v4, v8  }
0xc1: {  	[tilespmem:s31+$0x9500] =	vst v6  }
0xc2: {  	[tilespmem:s31+$0x8E00] =	vst v8  }
0xc3: {  	v5 =	vld.idx.msk [tilespmem:v5+s22+$0x0], $0xffff;
	_ =	sdelay $0x2  }
0xc4: {  	v8 =	vor.u32 $0x2, v7;
	_ =	sdelay $0x1  }
0xc5: {  	v61 =	vor.u32 $0x1, v6;
	v5 =	vmul.f32 v5, v4  }
0xc6: {  	[tilespmem:s31+$0x9660] =	vst v61  }
0xc7: {  	[tilespmem:s31+$0x8F60] =	vst v5  }
0xc8: {  	v5 =	vld.idx.msk [tilespmem:v8+s22+$0x0], $0xffff;
	_ =	sdelay $0x2  }
0xc9: {  	v8 =	vor.u32 $0x3, v7;
	_ =	sdelay $0x1  }
0xca: {  	v62 =	vor.u32 $0x2, v6;
	v5 =	vmul.f32 v5, v4  }
0xcb: {  	[tilespmem:s31+$0x97C0] =	vst v62  }
0xcc: {  	[tilespmem:s31+$0x90C0] =	vst v5  }
0xcd: {  	v5 =	vld.idx.msk [tilespmem:v8+s22+$0x0], $0xffff;
	_ =	sdelay $0x2  }
0xce: {  	v7 =	vor.u32 $0x4, v7  }
0xcf: {  	s1 =	sadd.s32 $0x10, s6  }
0xd0: {  	v63 =	vmov s1;
	v8 =	vor.u32 $0x3, v6;
	v5 =	vmul.f32 v5, v4  }
0xd1: {  	[tilespmem:s31+$0x9920] =	vst v8;
	v8 =	vshll.u32 v63, $0x1  }
0xd2: {  	[tilespmem:s31+$0x9220] =	vst v5;
	v5 =	vor.u32 v2, v8  }
0xd3: {  	s20 =	simm.s32 $0x40;
	s0 =	sand.u32 $0x1F0, s4;
	v8 =	vor.u32 $0x4, v6;
	v6 =	vld.idx.msk [tilespmem:v7+s22+$0x0], $0xffff;
	v5 =	vor.u32 v0, v5  }
0xd4: {  	s29 =	simm.s32 $0x80;
	s23 =	simm.s32 $0x10;
	s4 =	simm.s32 $0x10;
	[tilespmem:s0+$0x9A80] =	vst v8;
	v7 =	vmul.u32 $0xB60C, v5  }
.LBB2_4:
0xd5: {  	p0 =	sne.s32 s29, $0x540  }
0xd6: {  	v7 =	vshrl.u32 v7, $0x15  }
0xd7: {  	v8 =	vmul.u32 $0x1FFFFFD3, v7  }
0xd8: {  	v4 =	vmul.f32 v6, v4  }
0xd9: {  	v5 =	vadd.s32 v5, v8  }
0xda: {  	s30 =	sshra.s32 s20, $0x2;
	s20 =	smov.u32 s29;
	v5 =	vshll.u32 v5, $0x3;
	[tilespmem:s0+$0x9380] =	vst v4  }
0xdb: {  	v4 =	vld [tilespmem:s30+$0x8400]  }
0xdc: {  	v6 =	vld [tilespmem:s30+$0x8880]  }
0xdd: {  	v8 =	vld [tilespmem:s30+$0x8700]  }
0xde: {  	v7 =	vshll.u32 v7, $0x3;
	v9 =	vld [tilespmem:s30+$0x8580]  }
0xdf: {  	v10 =	vld.idx.msk [tilespmem:v5+s22+$0x0], $0xffff;
	[tilespmem:s30+$0x9500] =	vst v7;
	_ =	sdelay $0x1  }
0xe0: {  	v4 =	vsub.f32 v6, v4;
	_ =	sdelay $0x1  }
0xe1: {  	v4 =	vmul.f32 v4, v9;
	v6 =	vmul.f32 v8, v9;
	_ =	sdelay $0x1  }
0xe2: {  	v4 =	vadd.f32 v6, v4;
	_ =	sdelay $0x1  }
0xe3: {  	v4 =	vadd.f32 v4, v3  }
0xe4: {  	v6 =	vor.u32 $0x1, v5  }
0xe5: {  	v4 =	vmax.f32 v4, $0.0e+00  }
0xe6: {  	v8 =	vmul.f32 v4, v10;
	_ =	sdelay $0x1  }
0xe7: {  	[tilespmem:s30+$0x8E00] =	vst v8  }
0xe8: {  	v6 =	vld.idx.msk [tilespmem:v6+s22+$0x0], $0xffff;
	_ =	sdelay $0x3  }
0xe9: {  	v8 =	vor.u32 $0x2, v5;
	_ =	sdelay $0x1  }
0xea: {  	v9 =	vor.u32 $0x1, v7;
	v6 =	vmul.f32 v6, v4  }
0xeb: {  	[tilespmem:s30+$0x9660] =	vst v9  }
0xec: {  	[tilespmem:s30+$0x8F60] =	vst v6  }
0xed: {  	v6 =	vld.idx.msk [tilespmem:v8+s22+$0x0], $0xffff;
	_ =	sdelay $0x3  }
0xee: {  	v8 =	vor.u32 $0x3, v5;
	_ =	sdelay $0x1  }
0xef: {  	v9 =	vor.u32 $0x2, v7;
	v6 =	vmul.f32 v6, v4  }
0xf0: {  	[tilespmem:s30+$0x97C0] =	vst v9  }
0xf1: {  	[tilespmem:s30+$0x90C0] =	vst v6;
	v6 =	vor.u32 $0x3, v7  }
0xf2: {  	v8 =	vld.idx.msk [tilespmem:v8+s22+$0x0], $0xffff;
	[tilespmem:s30+$0x9920] =	vst v6;
	_ =	sdelay $0x3  }
0xf3: {  	v5 =	vor.u32 $0x4, v5  }
0xf4: {  	s23 =	sadd.s32 $0x10, s23  }
0xf5: {  	s0 =	sadd.s32 s23, s6;
	v6 =	vmul.f32 v8, v4  }
.Ltmp1:
0xf6: {  	v8 =	vmov s0;
	(pc) =	sbr.rel @p0 .LBB2_4-.Ltmp1, $4  }
0xf7: {  	v7 =	vor.u32 $0x4, v7;
	s0 =	sand.u32 $0x1F0, s4;
	s4 =	smov.u32 s23;
	v8 =	vshll.u32 v8, $0x1;
	[tilespmem:s30+$0x9220] =	vst v6  }
0xf8: {  	v8 =	vor.u32 v2, v8;
	v6 =	vld.idx.msk [tilespmem:v5+s22+$0x0], $0xffff;
	[tilespmem:s0+$0x9A80] =	vst v7  }
0xf9: {  	v5 =	vor.u32 v0, v8  }
0xfa: {  	s29 =	sadd.s32 $0x40, s29;
	v7 =	vmul.u32 $0xB60C, v5  }
0xfb: {  	_ =	sdelay $0x1  }
0xfc: {  	v4 =	vmul.f32 v6, v4;
	_ =	sdelay $0x1  }
0xfd: {  	s1 =	sshra.s32 s20, $0x2;
	[tilespmem:s0+$0x9380] =	vst v4  }
0xfe: {  	v4 =	vld [tilespmem:s1+$0x8400]  }
0xff: {  	v52 =	vshrl.u32 v7, $0x15;
	v53 =	vld [tilespmem:s1+$0x8880]  }
0x100: {  	v8 =	vmul.u32 $0x1FFFFFD3, v52;
	v9 =	vld [tilespmem:s1+$0x8700]  }
0x101: {  	v10 =	vld [tilespmem:s1+$0x8580]  }
0x102: {  	v5 =	vadd.s32 v5, v8  }
0x103: {  	v5 =	vshll.u32 v5, $0x3  }
0x104: {  	v4 =	vsub.f32 v53, v4;
	_ =	sdelay $0x1  }
0x105: {  	v54 =	vmul.f32 v9, v10;
	v4 =	vmul.f32 v4, v10;
	_ =	sdelay $0x1  }
0x106: {  	v55 =	vld.idx.msk [tilespmem:v5+s22+$0x0], $0xffff;
	v4 =	vadd.f32 v54, v4;
	_ =	sdelay $0x1  }
0x107: {  	v3 =	vadd.f32 v4, v3  }
0x108: {  	v56 =	vor.u32 $0x1, v5  }
0x109: {  	v3 =	vmax.f32 v3, $0.0e+00  }
0x10a: {  	v6 =	vshll.u32 v52, $0x3;
	v57 =	vmul.f32 v3, v55  }
0x10b: {  	[tilespmem:s1+$0x9500] =	vst v6  }
0x10c: {  	[tilespmem:s1+$0x8E00] =	vst v57  }
0x10d: {  	v4 =	vld.idx.msk [tilespmem:v56+s22+$0x0], $0xffff;
	_ =	sdelay $0x2  }
0x10e: {  	v58 =	vor.u32 $0x2, v5;
	_ =	sdelay $0x1  }
0x10f: {  	v59 =	vor.u32 $0x1, v6;
	v4 =	vmul.f32 v4, v3  }
0x110: {  	[tilespmem:s1+$0x9660] =	vst v59  }
0x111: {  	[tilespmem:s1+$0x8F60] =	vst v4  }
0x112: {  	v4 =	vld.idx.msk [tilespmem:v58+s22+$0x0], $0xffff;
	_ =	sdelay $0x2  }
0x113: {  	v60 =	vor.u32 $0x3, v5;
	_ =	sdelay $0x1  }
0x114: {  	v61 =	vor.u32 $0x2, v6;
	v4 =	vmul.f32 v4, v3  }
0x115: {  	[tilespmem:s1+$0x97C0] =	vst v61  }
0x116: {  	[tilespmem:s1+$0x90C0] =	vst v4  }
0x117: {  	v4 =	vld.idx.msk [tilespmem:v60+s22+$0x0], $0xffff;
	_ =	sdelay $0x2  }
0x118: {  	v5 =	vor.u32 $0x4, v5;
	_ =	sdelay $0x1  }
0x119: {  	v62 =	vor.u32 $0x3, v6;
	v4 =	vmul.f32 v4, v3  }
0x11a: {  	[tilespmem:s1+$0x9920] =	vst v62  }
0x11b: {  	[tilespmem:s1+$0x9220] =	vst v4  }
0x11c: {  	v4 =	vld.idx.msk [tilespmem:v5+s22+$0x0], $0xffff;
	_ =	sdelay $0x4  }
0x11d: {  	s20 =	sand.u32 $0x1F0, s4;
	v63 =	vor.u32 $0x4, v6;
	v3 =	vmul.f32 v4, v3  }
0x11e: {  	s23 =	rddreg [dreg:$0x2];
	[tilespmem:s20+$0x9A80] =	vst v63  }
0x11f: {  	s29 =	simm.s32 $0x6E0;
	s30 =	simm.s32 $0x9500;
	s31 =	simm.s32 $0x8E00;
	[tilespmem:s20+$0x9380] =	vst v3  }
0x120: {  	[spmem:s23] =	stream.indirect.scatter.add.f32 [tilespmem:s31], [sflag:$0x3], $0x1, s30, s29, $0xb8;
	[tilespmem:$0x9F40] =	vst v63  }
0x121: {  	_ =	swait.ge [sflag:s21], $0x6E0  }
0x122: {  	[sflag:s21] =	ssyncset.done $0x0  }
0x123: {  	[sflag:s21] =	ssyncadd.s32 $0xFFFFF920  }
0x124: {  	[bflag:$0x0] =	sbarrier.arrive $0xFFFF  }
0x125: {  	[tilespmem:s24], [sflag:$0x3] =	stream.linear.gather [spmem:s12], $0x80, $0x38;
	[tilespmem:$0x9F40] =	vst v63  }
0x126: {  	s3 =	sadd.s32 $0x1, s3;
	_ =	swait.ge [sflag:s21], $0x80  }
0x127: {  	p0 =	sne.s32 s3, s17;
	[sflag:s21] =	ssyncset.done $0x0  }
.Ltmp2:
0x128: {  	[sflag:s21] =	ssyncadd.s32 $0xFFFFFF80;
	(pc) =	sbr.rel @p0 .LBB2_1-.Ltmp2, $4  }
0x129: {  	[hbm4b:s16+s5] =	stream.linear.scatter [tilespmem:s24], [sflag:$0x3], $0x80, $0x38;
	[tilespmem:$0x9F40] =	vst v63  }
0x12a: {  	_ =	swait.ge [sflag:s21], $0x80  }
0x12b: {  	[sflag:s21] =	ssyncset.done $0x0  }
0x12c: {  	[sflag:s21] =	ssyncadd.s32 $0xFFFFFF80  }
0x12d: {  	_ =	sfence.sel $0x180000  }
0x12e: {  	[bflag:$0x0] =	sbarrier.arrive $0xFFFF  }
0x12f: {  	_ =	strace $0x90000047  }
0x130: {  	s0 =	stileid.u32;
	[bflag:$0x2] =	sbarrier.arrive $0xFFFF  }
0x131: {  	p0 =	sne.s32 s0, $0x0;
	s0 =	rddreg [dreg:$0x4]  }
0x132: {  	s0 =	sadd.s32 @!p0 $0x100000, s0  }
0x133: {  	[sflag:s0] =	ssyncadd.tile.s32 @!p0 $0x1;
	_ =	shalt  }
.Lfunc_end2:
_tile_overlayer_lowered:
.L_overlay_start_2:
0x134: {  	(tag) =	ssettag $0x2  }
0x135: {  	s0 =	rddreg [dreg:$0x0];
	s2 =	stileid.u32  }
0x136: {  	s1 =	rddreg [dreg:$0x1];
	p0 =	sne.s32 s2, $0x0  }
0x137: {  	s3 =	rddreg [dreg:$0x2];
	[bflag:$0x3] =	sbarrier.arrive $0xFFFF;
	s2 =	simm.s32 @!p0 $0x1C03  }
0x138: {  	[timem:s3], [sflag:s2] =	dma.local @!p0 [hbm:s0], s1  }
0x139: {  	s0 =	simm.s32 @!p0 $0x3  }
0x13a: {  	_ =	swait.ge @!p0 [sflag:s0], s1  }
0x13b: {  	s1 =	ssub.s32 @!p0 $0x0, s1;
	[sflag:s0] =	ssyncset.done @!p0 $0x0  }
0x13c: {  	[sflag:s0] =	ssyncadd.s32 @!p0 s1  }
0x13d: {  	[bflag:$0x3] =	sbarrier.arrive $0xFFFF  }
0x13e: {  	_ =	shalt  }

</sc_bundles>
